<compile_context>
chip_gen: v7x
topology: tpu7x:2x2x1
jax: 0.10.2.dev20260603
libtpu: 0.0.44.dev20260713+nightly
codegen_flags: <defaults>
</compile_context>

<pallas_src>
import functools

import jax
import jax.numpy as jnp
from jax import lax
from jax.experimental import pallas as pl
from jax.experimental.pallas import tpu as pltpu
from jax.experimental.pallas import tpu_sc as plsc

B, H, S = 1, 12, 2048
_ROWS = 256
_L = 16
_NC, _NS = 2, 16
_NW = _NC * _NS
_RPW = S // _NW


def _phase1_kernel(xs_ref, w_ref, b_ref, g_ref):
    m = jnp.max(xs_ref[0], axis=1)
    a = jax.lax.dot_general(
        m[None, :], w_ref[...],
        dimension_numbers=(((1,), (1,)), ((), ())),
        preferred_element_type=jnp.float32,
    )
    a = a + b_ref[...]
    g_ref[...] = 0.5 * a * (1.0 + jax.lax.erf(a * 0.7071067811865476))


def _phase2_kernel(x_ref, o_ref, i_ref):
    blk = x_ref[0]
    m = jnp.max(blk, axis=-1, keepdims=True)
    lane = jax.lax.broadcasted_iota(jnp.int32, blk.shape, 1)
    cand = jnp.where(blk == m, lane, S)
    i_ref[...] = jnp.min(cand, axis=-1)
    o_ref[0] = blk


def _phase3_sc(idx_hbm, g_hbm, out_ref, idxv, posv, gvals, sem):
    wid = lax.axis_index("s") * _NC + lax.axis_index("c")
    base_s = wid * _RPW
    pltpu.sync_copy(g_hbm.at[pl.ds(base_s, _RPW)], gvals)
    lane = lax.iota(jnp.int32, _L)
    for h in range(H):
        r0 = h * S + base_s
        pltpu.sync_copy(idx_hbm.at[pl.ds(r0, _RPW)], idxv)
        for q in range(_RPW // _L):
            iv = idxv[pl.ds(q * _L, _L)]
            posv[pl.ds(q * _L, _L)] = (r0 + q * _L + lane) * S + iv
        pltpu.async_copy(gvals, out_ref.at[posv], sem).wait()


def kernel(x, W, b):
    x3 = x.reshape(H, S, S)
    g = pl.pallas_call(
        _phase1_kernel,
        grid=(1,),
        in_specs=[
            pl.BlockSpec((1, S, S), lambda i: (H - 1, 0, 0)),
            pl.BlockSpec((S, S), lambda i: (0, 0)),
            pl.BlockSpec((1, S), lambda i: (0, 0)),
        ],
        out_specs=pl.BlockSpec((1, S), lambda i: (0, 0)),
        out_shape=jax.ShapeDtypeStruct((1, S), jnp.float32),
    )(x3, W, b.reshape(1, S))

    out2, idx = pl.pallas_call(
        _phase2_kernel,
        grid=(H, S // _ROWS),
        in_specs=[
            pl.BlockSpec((1, _ROWS, S), lambda h, i: (h, i, 0)),
        ],
        out_specs=[
            pl.BlockSpec((1, _ROWS, S), lambda h, i: (h, i, 0)),
            pl.BlockSpec((_ROWS,), lambda h, i: (h * (S // _ROWS) + i,)),
        ],
        out_shape=[
            jax.ShapeDtypeStruct((H, S, S), jnp.float32),
            jax.ShapeDtypeStruct((H * S,), jnp.int32),
        ],
        compiler_params=pltpu.CompilerParams(
            dimension_semantics=("parallel", "parallel"),
        ),
    )(x3)

    scatter = functools.partial(
        pl.kernel,
        mesh=plsc.VectorSubcoreMesh(core_axis_name="c", subcore_axis_name="s"),
        out_type=(),
        scratch_types=[
            pltpu.VMEM((_RPW,), jnp.int32),
            pltpu.VMEM((_RPW,), jnp.int32),
            pltpu.VMEM((_RPW,), jnp.float32),
            pltpu.SemaphoreType.DMA,
        ],
        compiler_params=pltpu.CompilerParams(needs_layout_passes=False),
    )(_phase3_sc)

    o_ref = jax.new_ref(out2.reshape(H * S * S))
    scatter(idx, g.reshape(S), o_ref)
    return o_ref[...].reshape(B, H, S, S)

# --- scband reference (transcript-rebuilt; emitter-appended) ---
"""Pipeline reference for scband-patterns-of-thinking-block-30623116820924 (READ-ONLY COPY).

The authoritative reference and input builder live on the scoring server;
editing this copy changes nothing except your own understanding.
"""

import jax, jax.numpy as jnp
import numpy as np

B, H, S = 1, 12, 2048

def setup_inputs(seed: int = 0) -> dict:
    key = jax.random.key(seed)
    k1, k2 = jax.random.split(key)
    x = jax.random.normal(k1, (B, H, S, S), dtype=jnp.float32)
    # nn.Linear(seq_len, seq_len) params, kaiming_normal fan_in (relu) init, zero bias
    W = jax.random.normal(k2, (S, S), dtype=jnp.float32) * np.float32(np.sqrt(2.0 / S))
    b = jnp.zeros((S,), dtype=jnp.float32)
    return {"x": x, "W": W, "b": b}

def reference(x, W, b):
    Bn, Hn, Sn, _ = x.shape
    x2 = jax.nn.softmax(x, axis=-1)
    # (x2[b,h,s] == x2[b,h,s].max()).nonzero()[0][0] == first argmax index
    idx = jnp.argmax(x2, axis=-1)                                    # [B,H,S] int
    vals = jnp.take_along_axis(x, idx[..., None], axis=-1)[..., 0]   # [B,H,S] gather of x at row-max position
    # Faithful to the original Python list-aliasing: array = [[[0]*S]*H]*B shares ONE inner
    # list across all (batch, head), so after the loops every (b,h) row holds the values
    # written by the LAST (batch=B-1, head=H-1) iteration.
    last = vals[Bn - 1, Hn - 1]                                      # [S]
    arr = jnp.broadcast_to(last, (Bn, Hn, Sn))
    arr = arr @ W.T + b                                              # nn.Linear over seq dim
    arr = jax.nn.gelu(arr, approximate=False)                        # torch nn.GELU default (erf)
    bi = jnp.arange(Bn)[:, None, None]
    hi = jnp.arange(Hn)[None, :, None]
    si = jnp.arange(Sn)[None, None, :]
    # scatter-overwrite: x[b,h,s, idx[b,h,s]] = arr[b,h,s]
    x = x.at[bi, hi, si, idx].set(arr)
    return x

if __name__ == "__main__":
    import jax
    _d = setup_inputs()
    print(jax.jit(kernel)(*tuple(_d.values())))

</pallas_src>

<mosaic_0001>
#map = affine_map<(d0, d1) -> (0)>
module attributes {stable_mosaic.version = 14 : i64} {
  func.func @new_body(%arg0: i32, %arg1: i32, %arg2: memref<24576xi32, #tpu.memory_space<hbm>>, %arg3: memref<2048xf32, #tpu.memory_space<hbm>>, %arg4: memref<50331648xf32, #tpu.memory_space<hbm>>, %arg5: memref<50331648xf32, #tpu.memory_space<hbm>>, %arg6: memref<64xi32, #tpu.memory_space<vmem>>, %arg7: memref<64xi32, #tpu.memory_space<vmem>>, %arg8: memref<64xf32, #tpu.memory_space<vmem>>, %arg9: memref<!tpu.dma_semaphore, #tpu.memory_space<semaphore_mem>>) attributes {dimension_semantics = [#tpu.dimension_semantics<core_parallel>, #tpu.dimension_semantics<subcore_parallel>], iteration_bounds = array<i64: 2, 16>, scalar_prefetch = 0 : i64, scratch_operands = 4 : i64, tpu.core_type = #tpu.core_type<sc_vector_subcore>, window_params = [{transform_indices = #map}, {transform_indices = #map}, {transform_indices = #map}, {transform_indices = #map}]} {
    %mul3A = arith.constant 2 : i32
    %mul3A_0 = arith.muli %arg1, %mul3A : i32
    %add3A = arith.addi %mul3A_0, %arg0 : i32
    %mul3A_1 = arith.constant 64 : i32
    %mul3A_2 = arith.muli %add3A, %mul3A_1 : i32
    "tpu.region"() ({
      %run_scoped3A = tpu.sem_alloc : memref<!tpu.dma_semaphore, #tpu.memory_space<semaphore_mem>>
      %dma_start3A_647 = tpu.memref_slice %arg3[%mul3A_2] : memref<2048xf32, #tpu.memory_space<hbm>> -> memref<64xf32, #tpu.memory_space<hbm>>
      %dma_start3A_648 = tpu.memref_slice %arg3[%mul3A_2] : memref<2048xf32, #tpu.memory_space<hbm>> -> memref<64xf32, #tpu.memory_space<hbm>>
      tpu.enqueue_dma source(%dma_start3A_648 : memref<64xf32, #tpu.memory_space<hbm>>) target(%arg8 : memref<64xf32, #tpu.memory_space<vmem>>) target_semaphore(%run_scoped3A : memref<!tpu.dma_semaphore, #tpu.memory_space<semaphore_mem>>)
      %dma_wait3A_649 = tpu.memref_slice %arg3[%mul3A_2] : memref<2048xf32, #tpu.memory_space<hbm>> -> memref<64xf32, #tpu.memory_space<hbm>>
      %dma_wait3A_650 = tpu.memref_slice %arg3[%mul3A_2] : memref<2048xf32, #tpu.memory_space<hbm>> -> memref<64xf32, #tpu.memory_space<hbm>>
      tpu.wait_dma2 semaphore(%run_scoped3A : memref<!tpu.dma_semaphore, #tpu.memory_space<semaphore_mem>>) src(%dma_wait3A_650 : memref<64xf32, #tpu.memory_space<hbm>>) dst(%arg8 : memref<64xf32, #tpu.memory_space<vmem>>)
      tpu.yield
    }) : () -> ()
    %iota3A = tpu.iota {dimensions = array<i32: 0>} : vector<16xi32>
    %add3A_3 = arith.constant 0 : i32
    %add3A_4 = arith.addi %add3A_3, %mul3A_2 : i32
    "tpu.region"() ({
      %run_scoped3A = tpu.sem_alloc : memref<!tpu.dma_semaphore, #tpu.memory_space<semaphore_mem>>
      %dma_start3A_647 = tpu.memref_slice %arg2[%add3A_4] : memref<24576xi32, #tpu.memory_space<hbm>> -> memref<64xi32, #tpu.memory_space<hbm>>
      %dma_start3A_648 = tpu.memref_slice %arg2[%add3A_4] : memref<24576xi32, #tpu.memory_space<hbm>> -> memref<64xi32, #tpu.memory_space<hbm>>
      tpu.enqueue_dma source(%dma_start3A_648 : memref<64xi32, #tpu.memory_space<hbm>>) target(%arg6 : memref<64xi32, #tpu.memory_space<vmem>>) target_semaphore(%run_scoped3A : memref<!tpu.dma_semaphore, #tpu.memory_space<semaphore_mem>>)
      %dma_wait3A_649 = tpu.memref_slice %arg2[%add3A_4] : memref<24576xi32, #tpu.memory_space<hbm>> -> memref<64xi32, #tpu.memory_space<hbm>>
      %dma_wait3A_650 = tpu.memref_slice %arg2[%add3A_4] : memref<24576xi32, #tpu.memory_space<hbm>> -> memref<64xi32, #tpu.memory_space<hbm>>
      tpu.wait_dma2 semaphore(%run_scoped3A : memref<!tpu.dma_semaphore, #tpu.memory_space<semaphore_mem>>) src(%dma_wait3A_650 : memref<64xi32, #tpu.memory_space<hbm>>) dst(%arg6 : memref<64xi32, #tpu.memory_space<vmem>>)
      tpu.yield
    }) : () -> ()
    %get3A = arith.constant 0 : index
    %get3A_5 = tpu.vector_load %arg6[%get3A] {strides = array<i32>} : memref<64xi32, #tpu.memory_space<vmem>>, vector<16xi32>,
    %add3A_6 = arith.constant 0 : i32
    %add3A_7 = arith.addi %add3A_4, %add3A_6 : i32
    %add3A_8 = vector.broadcast %add3A_7 : i32 to vector<16xi32>
    %add3A_9 = arith.addi %add3A_8, %iota3A : vector<16xi32>
    %mul3A_10 = arith.constant 2048 : i32
    %mul3A_11 = vector.broadcast %mul3A_10 : i32 to vector<16xi32>
    %mul3A_12 = arith.muli %add3A_9, %mul3A_11 : vector<16xi32>
    %add3A_13 = arith.addi %mul3A_12, %get3A_5 : vector<16xi32>
    %swap3A = arith.constant 0 : index
    %swap3A_14 = tpu.vector_load %arg7[%swap3A] {strides = array<i32>} : memref<64xi32, #tpu.memory_space<vmem>>, vector<16xi32>,
    tpu.vector_store %arg7[%swap3A], %add3A_13 {strides = array<i32>} : memref<64xi32, #tpu.memory_space<vmem>>, vector<16xi32>,
    %get3A_15 = arith.constant 16 : index
    %get3A_16 = tpu.vector_load %arg6[%get3A_15] {strides = array<i32>} : memref<64xi32, #tpu.memory_space<vmem>>, vector<16xi32>,
    %add3A_17 = arith.constant 16 : i32
    %add3A_18 = arith.addi %add3A_4, %add3A_17 : i32
    %add3A_19 = vector.broadcast %add3A_18 : i32 to vector<16xi32>
    %add3A_20 = arith.addi %add3A_19, %iota3A : vector<16xi32>
    %mul3A_21 = arith.constant 2048 : i32
    %mul3A_22 = vector.broadcast %mul3A_21 : i32 to vector<16xi32>
    %mul3A_23 = arith.muli %add3A_20, %mul3A_22 : vector<16xi32>
    %add3A_24 = arith.addi %mul3A_23, %get3A_16 : vector<16xi32>
    %swap3A_25 = arith.constant 16 : index
    %swap3A_26 = tpu.vector_load %arg7[%swap3A_25] {strides = array<i32>} : memref<64xi32, #tpu.memory_space<vmem>>, vector<16xi32>,
    tpu.vector_store %arg7[%swap3A_25], %add3A_24 {strides = array<i32>} : memref<64xi32, #tpu.memory_space<vmem>>, vector<16xi32>,
    %get3A_27 = arith.constant 32 : index
    %get3A_28 = tpu.vector_load %arg6[%get3A_27] {strides = array<i32>} : memref<64xi32, #tpu.memory_space<vmem>>, vector<16xi32>,
    %add3A_29 = arith.constant 32 : i32
    %add3A_30 = arith.addi %add3A_4, %add3A_29 : i32
    %add3A_31 = vector.broadcast %add3A_30 : i32 to vector<16xi32>
    %add3A_32 = arith.addi %add3A_31, %iota3A : vector<16xi32>
    %mul3A_33 = arith.constant 2048 : i32
    %mul3A_34 = vector.broadcast %mul3A_33 : i32 to vector<16xi32>
    %mul3A_35 = arith.muli %add3A_32, %mul3A_34 : vector<16xi32>
    %add3A_36 = arith.addi %mul3A_35, %get3A_28 : vector<16xi32>
    %swap3A_37 = arith.constant 32 : index
    %swap3A_38 = tpu.vector_load %arg7[%swap3A_37] {strides = array<i32>} : memref<64xi32, #tpu.memory_space<vmem>>, vector<16xi32>,
    tpu.vector_store %arg7[%swap3A_37], %add3A_36 {strides = array<i32>} : memref<64xi32, #tpu.memory_space<vmem>>, vector<16xi32>,
    %get3A_39 = arith.constant 48 : index
    %get3A_40 = tpu.vector_load %arg6[%get3A_39] {strides = array<i32>} : memref<64xi32, #tpu.memory_space<vmem>>, vector<16xi32>,
    %add3A_41 = arith.constant 48 : i32
    %add3A_42 = arith.addi %add3A_4, %add3A_41 : i32
    %add3A_43 = vector.broadcast %add3A_42 : i32 to vector<16xi32>
    %add3A_44 = arith.addi %add3A_43, %iota3A : vector<16xi32>
    %mul3A_45 = arith.constant 2048 : i32
    %mul3A_46 = vector.broadcast %mul3A_45 : i32 to vector<16xi32>
    %mul3A_47 = arith.muli %add3A_44, %mul3A_46 : vector<16xi32>
    %add3A_48 = arith.addi %mul3A_47, %get3A_40 : vector<16xi32>
    %swap3A_49 = arith.constant 48 : index
    %swap3A_50 = tpu.vector_load %arg7[%swap3A_49] {strides = array<i32>} : memref<64xi32, #tpu.memory_space<vmem>>, vector<16xi32>,
    tpu.vector_store %arg7[%swap3A_49], %add3A_48 {strides = array<i32>} : memref<64xi32, #tpu.memory_space<vmem>>, vector<16xi32>,
    %dma_start3A = arith.constant 0 : i32
    %dma_start3A_51 = tpu.memref_slice %arg4[%dma_start3A] : memref<50331648xf32, #tpu.memory_space<hbm>> -> memref<50331648xf32, #tpu.memory_space<hbm>>
    tpu.enqueue_indirect_dma source(%arg8 : memref<64xf32, #tpu.memory_space<vmem>>) target(%dma_start3A_51 : memref<50331648xf32, #tpu.memory_space<hbm>>) offsets(%arg7 : memref<64xi32, #tpu.memory_space<vmem>>) semaphore(%arg9 : memref<!tpu.dma_semaphore, #tpu.memory_space<semaphore_mem>>)
    %dma_wait3A = arith.constant 0 : i32
    %dma_wait3A_52 = tpu.memref_slice %arg4[%dma_wait3A] : memref<50331648xf32, #tpu.memory_space<hbm>> -> memref<50331648xf32, #tpu.memory_space<hbm>>
    tpu.wait_indirect_dma semaphore(%arg9 : memref<!tpu.dma_semaphore, #tpu.memory_space<semaphore_mem>>) src(%arg8 : memref<64xf32, #tpu.memory_space<vmem>>) dst(%dma_wait3A_52 : memref<50331648xf32, #tpu.memory_space<hbm>>)
    %add3A_53 = arith.constant 2048 : i32
    %add3A_54 = arith.addi %add3A_53, %mul3A_2 : i32
    "tpu.region"() ({
      %run_scoped3A = tpu.sem_alloc : memref<!tpu.dma_semaphore, #tpu.memory_space<semaphore_mem>>
      %dma_start3A_647 = tpu.memref_slice %arg2[%add3A_54] : memref<24576xi32, #tpu.memory_space<hbm>> -> memref<64xi32, #tpu.memory_space<hbm>>
      %dma_start3A_648 = tpu.memref_slice %arg2[%add3A_54] : memref<24576xi32, #tpu.memory_space<hbm>> -> memref<64xi32, #tpu.memory_space<hbm>>
      tpu.enqueue_dma source(%dma_start3A_648 : memref<64xi32, #tpu.memory_space<hbm>>) target(%arg6 : memref<64xi32, #tpu.memory_space<vmem>>) target_semaphore(%run_scoped3A : memref<!tpu.dma_semaphore, #tpu.memory_space<semaphore_mem>>)
      %dma_wait3A_649 = tpu.memref_slice %arg2[%add3A_54] : memref<24576xi32, #tpu.memory_space<hbm>> -> memref<64xi32, #tpu.memory_space<hbm>>
      %dma_wait3A_650 = tpu.memref_slice %arg2[%add3A_54] : memref<24576xi32, #tpu.memory_space<hbm>> -> memref<64xi32, #tpu.memory_space<hbm>>
      tpu.wait_dma2 semaphore(%run_scoped3A : memref<!tpu.dma_semaphore, #tpu.memory_space<semaphore_mem>>) src(%dma_wait3A_650 : memref<64xi32, #tpu.memory_space<hbm>>) dst(%arg6 : memref<64xi32, #tpu.memory_space<vmem>>)
      tpu.yield
    }) : () -> ()
    %get3A_55 = arith.constant 0 : index
    %get3A_56 = tpu.vector_load %arg6[%get3A_55] {strides = array<i32>} : memref<64xi32, #tpu.memory_space<vmem>>, vector<16xi32>,
    %add3A_57 = arith.constant 0 : i32
    %add3A_58 = arith.addi %add3A_54, %add3A_57 : i32
    %add3A_59 = vector.broadcast %add3A_58 : i32 to vector<16xi32>
    %add3A_60 = arith.addi %add3A_59, %iota3A : vector<16xi32>
    %mul3A_61 = arith.constant 2048 : i32
    %mul3A_62 = vector.broadcast %mul3A_61 : i32 to vector<16xi32>
    %mul3A_63 = arith.muli %add3A_60, %mul3A_62 : vector<16xi32>
    %add3A_64 = arith.addi %mul3A_63, %get3A_56 : vector<16xi32>
    %swap3A_65 = arith.constant 0 : index
    %swap3A_66 = tpu.vector_load %arg7[%swap3A_65] {strides = array<i32>} : memref<64xi32, #tpu.memory_space<vmem>>, vector<16xi32>,
    tpu.vector_store %arg7[%swap3A_65], %add3A_64 {strides = array<i32>} : memref<64xi32, #tpu.memory_space<vmem>>, vector<16xi32>,
    %get3A_67 = arith.constant 16 : index
    %get3A_68 = tpu.vector_load %arg6[%get3A_67] {strides = array<i32>} : memref<64xi32, #tpu.memory_space<vmem>>, vector<16xi32>,
    %add3A_69 = arith.constant 16 : i32
    %add3A_70 = arith.addi %add3A_54, %add3A_69 : i32
    %add3A_71 = vector.broadcast %add3A_70 : i32 to vector<16xi32>
    %add3A_72 = arith.addi %add3A_71, %iota3A : vector<16xi32>
    %mul3A_73 = arith.constant 2048 : i32
    %mul3A_74 = vector.broadcast %mul3A_73 : i32 to vector<16xi32>
    %mul3A_75 = arith.muli %add3A_72, %mul3A_74 : vector<16xi32>
    %add3A_76 = arith.addi %mul3A_75, %get3A_68 : vector<16xi32>
    %swap3A_77 = arith.constant 16 : index
    %swap3A_78 = tpu.vector_load %arg7[%swap3A_77] {strides = array<i32>} : memref<64xi32, #tpu.memory_space<vmem>>, vector<16xi32>,
    tpu.vector_store %arg7[%swap3A_77], %add3A_76 {strides = array<i32>} : memref<64xi32, #tpu.memory_space<vmem>>, vector<16xi32>,
    %get3A_79 = arith.constant 32 : index
    %get3A_80 = tpu.vector_load %arg6[%get3A_79] {strides = array<i32>} : memref<64xi32, #tpu.memory_space<vmem>>, vector<16xi32>,
    %add3A_81 = arith.constant 32 : i32
    %add3A_82 = arith.addi %add3A_54, %add3A_81 : i32
    %add3A_83 = vector.broadcast %add3A_82 : i32 to vector<16xi32>
    %add3A_84 = arith.addi %add3A_83, %iota3A : vector<16xi32>
    %mul3A_85 = arith.constant 2048 : i32
    %mul3A_86 = vector.broadcast %mul3A_85 : i32 to vector<16xi32>
    %mul3A_87 = arith.muli %add3A_84, %mul3A_86 : vector<16xi32>
    %add3A_88 = arith.addi %mul3A_87, %get3A_80 : vector<16xi32>
    %swap3A_89 = arith.constant 32 : index
    %swap3A_90 = tpu.vector_load %arg7[%swap3A_89] {strides = array<i32>} : memref<64xi32, #tpu.memory_space<vmem>>, vector<16xi32>,
    tpu.vector_store %arg7[%swap3A_89], %add3A_88 {strides = array<i32>} : memref<64xi32, #tpu.memory_space<vmem>>, vector<16xi32>,
    %get3A_91 = arith.constant 48 : index
    %get3A_92 = tpu.vector_load %arg6[%get3A_91] {strides = array<i32>} : memref<64xi32, #tpu.memory_space<vmem>>, vector<16xi32>,
    %add3A_93 = arith.constant 48 : i32
    %add3A_94 = arith.addi %add3A_54, %add3A_93 : i32
    %add3A_95 = vector.broadcast %add3A_94 : i32 to vector<16xi32>
    %add3A_96 = arith.addi %add3A_95, %iota3A : vector<16xi32>
    %mul3A_97 = arith.constant 2048 : i32
    %mul3A_98 = vector.broadcast %mul3A_97 : i32 to vector<16xi32>
    %mul3A_99 = arith.muli %add3A_96, %mul3A_98 : vector<16xi32>
    %add3A_100 = arith.addi %mul3A_99, %get3A_92 : vector<16xi32>
    %swap3A_101 = arith.constant 48 : index
    %swap3A_102 = tpu.vector_load %arg7[%swap3A_101] {strides = array<i32>} : memref<64xi32, #tpu.memory_space<vmem>>, vector<16xi32>,
    tpu.vector_store %arg7[%swap3A_101], %add3A_100 {strides = array<i32>} : memref<64xi32, #tpu.memory_space<vmem>>, vector<16xi32>,
    %dma_start3A_103 = arith.constant 0 : i32
    %dma_start3A_104 = tpu.memref_slice %arg4[%dma_start3A_103] : memref<50331648xf32, #tpu.memory_space<hbm>> -> memref<50331648xf32, #tpu.memory_space<hbm>>
    tpu.enqueue_indirect_dma source(%arg8 : memref<64xf32, #tpu.memory_space<vmem>>) target(%dma_start3A_104 : memref<50331648xf32, #tpu.memory_space<hbm>>) offsets(%arg7 : memref<64xi32, #tpu.memory_space<vmem>>) semaphore(%arg9 : memref<!tpu.dma_semaphore, #tpu.memory_space<semaphore_mem>>)
    %dma_wait3A_105 = arith.constant 0 : i32
    %dma_wait3A_106 = tpu.memref_slice %arg4[%dma_wait3A_105] : memref<50331648xf32, #tpu.memory_space<hbm>> -> memref<50331648xf32, #tpu.memory_space<hbm>>
    tpu.wait_indirect_dma semaphore(%arg9 : memref<!tpu.dma_semaphore, #tpu.memory_space<semaphore_mem>>) src(%arg8 : memref<64xf32, #tpu.memory_space<vmem>>) dst(%dma_wait3A_106 : memref<50331648xf32, #tpu.memory_space<hbm>>)
    %add3A_107 = arith.constant 4096 : i32
    %add3A_108 = arith.addi %add3A_107, %mul3A_2 : i32
    "tpu.region"() ({
      %run_scoped3A = tpu.sem_alloc : memref<!tpu.dma_semaphore, #tpu.memory_space<semaphore_mem>>
      %dma_start3A_647 = tpu.memref_slice %arg2[%add3A_108] : memref<24576xi32, #tpu.memory_space<hbm>> -> memref<64xi32, #tpu.memory_space<hbm>>
      %dma_start3A_648 = tpu.memref_slice %arg2[%add3A_108] : memref<24576xi32, #tpu.memory_space<hbm>> -> memref<64xi32, #tpu.memory_space<hbm>>
      tpu.enqueue_dma source(%dma_start3A_648 : memref<64xi32, #tpu.memory_space<hbm>>) target(%arg6 : memref<64xi32, #tpu.memory_space<vmem>>) target_semaphore(%run_scoped3A : memref<!tpu.dma_semaphore, #tpu.memory_space<semaphore_mem>>)
      %dma_wait3A_649 = tpu.memref_slice %arg2[%add3A_108] : memref<24576xi32, #tpu.memory_space<hbm>> -> memref<64xi32, #tpu.memory_space<hbm>>
      %dma_wait3A_650 = tpu.memref_slice %arg2[%add3A_108] : memref<24576xi32, #tpu.memory_space<hbm>> -> memref<64xi32, #tpu.memory_space<hbm>>
      tpu.wait_dma2 semaphore(%run_scoped3A : memref<!tpu.dma_semaphore, #tpu.memory_space<semaphore_mem>>) src(%dma_wait3A_650 : memref<64xi32, #tpu.memory_space<hbm>>) dst(%arg6 : memref<64xi32, #tpu.memory_space<vmem>>)
      tpu.yield
    }) : () -> ()
    %get3A_109 = arith.constant 0 : index
    %get3A_110 = tpu.vector_load %arg6[%get3A_109] {strides = array<i32>} : memref<64xi32, #tpu.memory_space<vmem>>, vector<16xi32>,
    %add3A_111 = arith.constant 0 : i32
    %add3A_112 = arith.addi %add3A_108, %add3A_111 : i32
    %add3A_113 = vector.broadcast %add3A_112 : i32 to vector<16xi32>
    %add3A_114 = arith.addi %add3A_113, %iota3A : vector<16xi32>
    %mul3A_115 = arith.constant 2048 : i32
    %mul3A_116 = vector.broadcast %mul3A_115 : i32 to vector<16xi32>
    %mul3A_117 = arith.muli %add3A_114, %mul3A_116 : vector<16xi32>
    %add3A_118 = arith.addi %mul3A_117, %get3A_110 : vector<16xi32>
    %swap3A_119 = arith.constant 0 : index
    %swap3A_120 = tpu.vector_load %arg7[%swap3A_119] {strides = array<i32>} : memref<64xi32, #tpu.memory_space<vmem>>, vector<16xi32>,
    tpu.vector_store %arg7[%swap3A_119], %add3A_118 {strides = array<i32>} : memref<64xi32, #tpu.memory_space<vmem>>, vector<16xi32>,
    %get3A_121 = arith.constant 16 : index
    %get3A_122 = tpu.vector_load %arg6[%get3A_121] {strides = array<i32>} : memref<64xi32, #tpu.memory_space<vmem>>, vector<16xi32>,
    %add3A_123 = arith.constant 16 : i32
    %add3A_124 = arith.addi %add3A_108, %add3A_123 : i32
    %add3A_125 = vector.broadcast %add3A_124 : i32 to vector<16xi32>
    %add3A_126 = arith.addi %add3A_125, %iota3A : vector<16xi32>
    %mul3A_127 = arith.constant 2048 : i32
    %mul3A_128 = vector.broadcast %mul3A_127 : i32 to vector<16xi32>
    %mul3A_129 = arith.muli %add3A_126, %mul3A_128 : vector<16xi32>
    %add3A_130 = arith.addi %mul3A_129, %get3A_122 : vector<16xi32>
    %swap3A_131 = arith.constant 16 : index
    %swap3A_132 = tpu.vector_load %arg7[%swap3A_131] {strides = array<i32>} : memref<64xi32, #tpu.memory_space<vmem>>, vector<16xi32>,
    tpu.vector_store %arg7[%swap3A_131], %add3A_130 {strides = array<i32>} : memref<64xi32, #tpu.memory_space<vmem>>, vector<16xi32>,
    %get3A_133 = arith.constant 32 : index
    %get3A_134 = tpu.vector_load %arg6[%get3A_133] {strides = array<i32>} : memref<64xi32, #tpu.memory_space<vmem>>, vector<16xi32>,
    %add3A_135 = arith.constant 32 : i32
    %add3A_136 = arith.addi %add3A_108, %add3A_135 : i32
    %add3A_137 = vector.broadcast %add3A_136 : i32 to vector<16xi32>
    %add3A_138 = arith.addi %add3A_137, %iota3A : vector<16xi32>
    %mul3A_139 = arith.constant 2048 : i32
    %mul3A_140 = vector.broadcast %mul3A_139 : i32 to vector<16xi32>
    %mul3A_141 = arith.muli %add3A_138, %mul3A_140 : vector<16xi32>
    %add3A_142 = arith.addi %mul3A_141, %get3A_134 : vector<16xi32>
    %swap3A_143 = arith.constant 32 : index
    %swap3A_144 = tpu.vector_load %arg7[%swap3A_143] {strides = array<i32>} : memref<64xi32, #tpu.memory_space<vmem>>, vector<16xi32>,
    tpu.vector_store %arg7[%swap3A_143], %add3A_142 {strides = array<i32>} : memref<64xi32, #tpu.memory_space<vmem>>, vector<16xi32>,
    %get3A_145 = arith.constant 48 : index
    %get3A_146 = tpu.vector_load %arg6[%get3A_145] {strides = array<i32>} : memref<64xi32, #tpu.memory_space<vmem>>, vector<16xi32>,
    %add3A_147 = arith.constant 48 : i32
    %add3A_148 = arith.addi %add3A_108, %add3A_147 : i32
    %add3A_149 = vector.broadcast %add3A_148 : i32 to vector<16xi32>
    %add3A_150 = arith.addi %add3A_149, %iota3A : vector<16xi32>
    %mul3A_151 = arith.constant 2048 : i32
    %mul3A_152 = vector.broadcast %mul3A_151 : i32 to vector<16xi32>
    %mul3A_153 = arith.muli %add3A_150, %mul3A_152 : vector<16xi32>
    %add3A_154 = arith.addi %mul3A_153, %get3A_146 : vector<16xi32>
    %swap3A_155 = arith.constant 48 : index
    %swap3A_156 = tpu.vector_load %arg7[%swap3A_155] {strides = array<i32>} : memref<64xi32, #tpu.memory_space<vmem>>, vector<16xi32>,
    tpu.vector_store %arg7[%swap3A_155], %add3A_154 {strides = array<i32>} : memref<64xi32, #tpu.memory_space<vmem>>, vector<16xi32>,
    %dma_start3A_157 = arith.constant 0 : i32
    %dma_start3A_158 = tpu.memref_slice %arg4[%dma_start3A_157] : memref<50331648xf32, #tpu.memory_space<hbm>> -> memref<50331648xf32, #tpu.memory_space<hbm>>
    tpu.enqueue_indirect_dma source(%arg8 : memref<64xf32, #tpu.memory_space<vmem>>) target(%dma_start3A_158 : memref<50331648xf32, #tpu.memory_space<hbm>>) offsets(%arg7 : memref<64xi32, #tpu.memory_space<vmem>>) semaphore(%arg9 : memref<!tpu.dma_semaphore, #tpu.memory_space<semaphore_mem>>)
    %dma_wait3A_159 = arith.constant 0 : i32
    %dma_wait3A_160 = tpu.memref_slice %arg4[%dma_wait3A_159] : memref<50331648xf32, #tpu.memory_space<hbm>> -> memref<50331648xf32, #tpu.memory_space<hbm>>
    tpu.wait_indirect_dma semaphore(%arg9 : memref<!tpu.dma_semaphore, #tpu.memory_space<semaphore_mem>>) src(%arg8 : memref<64xf32, #tpu.memory_space<vmem>>) dst(%dma_wait3A_160 : memref<50331648xf32, #tpu.memory_space<hbm>>)
    %add3A_161 = arith.constant 6144 : i32
    %add3A_162 = arith.addi %add3A_161, %mul3A_2 : i32
    "tpu.region"() ({
      %run_scoped3A = tpu.sem_alloc : memref<!tpu.dma_semaphore, #tpu.memory_space<semaphore_mem>>
      %dma_start3A_647 = tpu.memref_slice %arg2[%add3A_162] : memref<24576xi32, #tpu.memory_space<hbm>> -> memref<64xi32, #tpu.memory_space<hbm>>
      %dma_start3A_648 = tpu.memref_slice %arg2[%add3A_162] : memref<24576xi32, #tpu.memory_space<hbm>> -> memref<64xi32, #tpu.memory_space<hbm>>
      tpu.enqueue_dma source(%dma_start3A_648 : memref<64xi32, #tpu.memory_space<hbm>>) target(%arg6 : memref<64xi32, #tpu.memory_space<vmem>>) target_semaphore(%run_scoped3A : memref<!tpu.dma_semaphore, #tpu.memory_space<semaphore_mem>>)
      %dma_wait3A_649 = tpu.memref_slice %arg2[%add3A_162] : memref<24576xi32, #tpu.memory_space<hbm>> -> memref<64xi32, #tpu.memory_space<hbm>>
      %dma_wait3A_650 = tpu.memref_slice %arg2[%add3A_162] : memref<24576xi32, #tpu.memory_space<hbm>> -> memref<64xi32, #tpu.memory_space<hbm>>
      tpu.wait_dma2 semaphore(%run_scoped3A : memref<!tpu.dma_semaphore, #tpu.memory_space<semaphore_mem>>) src(%dma_wait3A_650 : memref<64xi32, #tpu.memory_space<hbm>>) dst(%arg6 : memref<64xi32, #tpu.memory_space<vmem>>)
      tpu.yield
    }) : () -> ()
    %get3A_163 = arith.constant 0 : index
    %get3A_164 = tpu.vector_load %arg6[%get3A_163] {strides = array<i32>} : memref<64xi32, #tpu.memory_space<vmem>>, vector<16xi32>,
    %add3A_165 = arith.constant 0 : i32
    %add3A_166 = arith.addi %add3A_162, %add3A_165 : i32
    %add3A_167 = vector.broadcast %add3A_166 : i32 to vector<16xi32>
    %add3A_168 = arith.addi %add3A_167, %iota3A : vector<16xi32>
    %mul3A_169 = arith.constant 2048 : i32
    %mul3A_170 = vector.broadcast %mul3A_169 : i32 to vector<16xi32>
    %mul3A_171 = arith.muli %add3A_168, %mul3A_170 : vector<16xi32>
    %add3A_172 = arith.addi %mul3A_171, %get3A_164 : vector<16xi32>
    %swap3A_173 = arith.constant 0 : index
    %swap3A_174 = tpu.vector_load %arg7[%swap3A_173] {strides = array<i32>} : memref<64xi32, #tpu.memory_space<vmem>>, vector<16xi32>,
    tpu.vector_store %arg7[%swap3A_173], %add3A_172 {strides = array<i32>} : memref<64xi32, #tpu.memory_space<vmem>>, vector<16xi32>,
    %get3A_175 = arith.constant 16 : index
    %get3A_176 = tpu.vector_load %arg6[%get3A_175] {strides = array<i32>} : memref<64xi32, #tpu.memory_space<vmem>>, vector<16xi32>,
    %add3A_177 = arith.constant 16 : i32
    %add3A_178 = arith.addi %add3A_162, %add3A_177 : i32
    %add3A_179 = vector.broadcast %add3A_178 : i32 to vector<16xi32>
    %add3A_180 = arith.addi %add3A_179, %iota3A : vector<16xi32>
    %mul3A_181 = arith.constant 2048 : i32
    %mul3A_182 = vector.broadcast %mul3A_181 : i32 to vector<16xi32>
    %mul3A_183 = arith.muli %add3A_180, %mul3A_182 : vector<16xi32>
    %add3A_184 = arith.addi %mul3A_183, %get3A_176 : vector<16xi32>
    %swap3A_185 = arith.constant 16 : index
    %swap3A_186 = tpu.vector_load %arg7[%swap3A_185] {strides = array<i32>} : memref<64xi32, #tpu.memory_space<vmem>>, vector<16xi32>,
    tpu.vector_store %arg7[%swap3A_185], %add3A_184 {strides = array<i32>} : memref<64xi32, #tpu.memory_space<vmem>>, vector<16xi32>,
    %get3A_187 = arith.constant 32 : index
    %get3A_188 = tpu.vector_load %arg6[%get3A_187] {strides = array<i32>} : memref<64xi32, #tpu.memory_space<vmem>>, vector<16xi32>,
    %add3A_189 = arith.constant 32 : i32
    %add3A_190 = arith.addi %add3A_162, %add3A_189 : i32
    %add3A_191 = vector.broadcast %add3A_190 : i32 to vector<16xi32>
    %add3A_192 = arith.addi %add3A_191, %iota3A : vector<16xi32>
    %mul3A_193 = arith.constant 2048 : i32
    %mul3A_194 = vector.broadcast %mul3A_193 : i32 to vector<16xi32>
    %mul3A_195 = arith.muli %add3A_192, %mul3A_194 : vector<16xi32>
    %add3A_196 = arith.addi %mul3A_195, %get3A_188 : vector<16xi32>
    %swap3A_197 = arith.constant 32 : index
    %swap3A_198 = tpu.vector_load %arg7[%swap3A_197] {strides = array<i32>} : memref<64xi32, #tpu.memory_space<vmem>>, vector<16xi32>,
    tpu.vector_store %arg7[%swap3A_197], %add3A_196 {strides = array<i32>} : memref<64xi32, #tpu.memory_space<vmem>>, vector<16xi32>,
    %get3A_199 = arith.constant 48 : index
    %get3A_200 = tpu.vector_load %arg6[%get3A_199] {strides = array<i32>} : memref<64xi32, #tpu.memory_space<vmem>>, vector<16xi32>,
    %add3A_201 = arith.constant 48 : i32
    %add3A_202 = arith.addi %add3A_162, %add3A_201 : i32
    %add3A_203 = vector.broadcast %add3A_202 : i32 to vector<16xi32>
    %add3A_204 = arith.addi %add3A_203, %iota3A : vector<16xi32>
    %mul3A_205 = arith.constant 2048 : i32
    %mul3A_206 = vector.broadcast %mul3A_205 : i32 to vector<16xi32>
    %mul3A_207 = arith.muli %add3A_204, %mul3A_206 : vector<16xi32>
    %add3A_208 = arith.addi %mul3A_207, %get3A_200 : vector<16xi32>
    %swap3A_209 = arith.constant 48 : index
    %swap3A_210 = tpu.vector_load %arg7[%swap3A_209] {strides = array<i32>} : memref<64xi32, #tpu.memory_space<vmem>>, vector<16xi32>,
    tpu.vector_store %arg7[%swap3A_209], %add3A_208 {strides = array<i32>} : memref<64xi32, #tpu.memory_space<vmem>>, vector<16xi32>,
    %dma_start3A_211 = arith.constant 0 : i32
    %dma_start3A_212 = tpu.memref_slice %arg4[%dma_start3A_211] : memref<50331648xf32, #tpu.memory_space<hbm>> -> memref<50331648xf32, #tpu.memory_space<hbm>>
    tpu.enqueue_indirect_dma source(%arg8 : memref<64xf32, #tpu.memory_space<vmem>>) target(%dma_start3A_212 : memref<50331648xf32, #tpu.memory_space<hbm>>) offsets(%arg7 : memref<64xi32, #tpu.memory_space<vmem>>) semaphore(%arg9 : memref<!tpu.dma_semaphore, #tpu.memory_space<semaphore_mem>>)
    %dma_wait3A_213 = arith.constant 0 : i32
    %dma_wait3A_214 = tpu.memref_slice %arg4[%dma_wait3A_213] : memref<50331648xf32, #tpu.memory_space<hbm>> -> memref<50331648xf32, #tpu.memory_space<hbm>>
    tpu.wait_indirect_dma semaphore(%arg9 : memref<!tpu.dma_semaphore, #tpu.memory_space<semaphore_mem>>) src(%arg8 : memref<64xf32, #tpu.memory_space<vmem>>) dst(%dma_wait3A_214 : memref<50331648xf32, #tpu.memory_space<hbm>>)
    %add3A_215 = arith.constant 8192 : i32
    %add3A_216 = arith.addi %add3A_215, %mul3A_2 : i32
    "tpu.region"() ({
      %run_scoped3A = tpu.sem_alloc : memref<!tpu.dma_semaphore, #tpu.memory_space<semaphore_mem>>
      %dma_start3A_647 = tpu.memref_slice %arg2[%add3A_216] : memref<24576xi32, #tpu.memory_space<hbm>> -> memref<64xi32, #tpu.memory_space<hbm>>
      %dma_start3A_648 = tpu.memref_slice %arg2[%add3A_216] : memref<24576xi32, #tpu.memory_space<hbm>> -> memref<64xi32, #tpu.memory_space<hbm>>
      tpu.enqueue_dma source(%dma_start3A_648 : memref<64xi32, #tpu.memory_space<hbm>>) target(%arg6 : memref<64xi32, #tpu.memory_space<vmem>>) target_semaphore(%run_scoped3A : memref<!tpu.dma_semaphore, #tpu.memory_space<semaphore_mem>>)
      %dma_wait3A_649 = tpu.memref_slice %arg2[%add3A_216] : memref<24576xi32, #tpu.memory_space<hbm>> -> memref<64xi32, #tpu.memory_space<hbm>>
      %dma_wait3A_650 = tpu.memref_slice %arg2[%add3A_216] : memref<24576xi32, #tpu.memory_space<hbm>> -> memref<64xi32, #tpu.memory_space<hbm>>
      tpu.wait_dma2 semaphore(%run_scoped3A : memref<!tpu.dma_semaphore, #tpu.memory_space<semaphore_mem>>) src(%dma_wait3A_650 : memref<64xi32, #tpu.memory_space<hbm>>) dst(%arg6 : memref<64xi32, #tpu.memory_space<vmem>>)
      tpu.yield
    }) : () -> ()
    %get3A_217 = arith.constant 0 : index
    %get3A_218 = tpu.vector_load %arg6[%get3A_217] {strides = array<i32>} : memref<64xi32, #tpu.memory_space<vmem>>, vector<16xi32>,
    %add3A_219 = arith.constant 0 : i32
    %add3A_220 = arith.addi %add3A_216, %add3A_219 : i32
    %add3A_221 = vector.broadcast %add3A_220 : i32 to vector<16xi32>
    %add3A_222 = arith.addi %add3A_221, %iota3A : vector<16xi32>
    %mul3A_223 = arith.constant 2048 : i32
    %mul3A_224 = vector.broadcast %mul3A_223 : i32 to vector<16xi32>
    %mul3A_225 = arith.muli %add3A_222, %mul3A_224 : vector<16xi32>
    %add3A_226 = arith.addi %mul3A_225, %get3A_218 : vector<16xi32>
    %swap3A_227 = arith.constant 0 : index
    %swap3A_228 = tpu.vector_load %arg7[%swap3A_227] {strides = array<i32>} : memref<64xi32, #tpu.memory_space<vmem>>, vector<16xi32>,
    tpu.vector_store %arg7[%swap3A_227], %add3A_226 {strides = array<i32>} : memref<64xi32, #tpu.memory_space<vmem>>, vector<16xi32>,
    %get3A_229 = arith.constant 16 : index
    %get3A_230 = tpu.vector_load %arg6[%get3A_229] {strides = array<i32>} : memref<64xi32, #tpu.memory_space<vmem>>, vector<16xi32>,
    %add3A_231 = arith.constant 16 : i32
    %add3A_232 = arith.addi %add3A_216, %add3A_231 : i32
    %add3A_233 = vector.broadcast %add3A_232 : i32 to vector<16xi32>
    %add3A_234 = arith.addi %add3A_233, %iota3A : vector<16xi32>
    %mul3A_235 = arith.constant 2048 : i32
    %mul3A_236 = vector.broadcast %mul3A_235 : i32 to vector<16xi32>
    %mul3A_237 = arith.muli %add3A_234, %mul3A_236 : vector<16xi32>
    %add3A_238 = arith.addi %mul3A_237, %get3A_230 : vector<16xi32>
    %swap3A_239 = arith.constant 16 : index
    %swap3A_240 = tpu.vector_load %arg7[%swap3A_239] {strides = array<i32>} : memref<64xi32, #tpu.memory_space<vmem>>, vector<16xi32>,
    tpu.vector_store %arg7[%swap3A_239], %add3A_238 {strides = array<i32>} : memref<64xi32, #tpu.memory_space<vmem>>, vector<16xi32>,
    %get3A_241 = arith.constant 32 : index
    %get3A_242 = tpu.vector_load %arg6[%get3A_241] {strides = array<i32>} : memref<64xi32, #tpu.memory_space<vmem>>, vector<16xi32>,
    %add3A_243 = arith.constant 32 : i32
    %add3A_244 = arith.addi %add3A_216, %add3A_243 : i32
    %add3A_245 = vector.broadcast %add3A_244 : i32 to vector<16xi32>
    %add3A_246 = arith.addi %add3A_245, %iota3A : vector<16xi32>
    %mul3A_247 = arith.constant 2048 : i32
    %mul3A_248 = vector.broadcast %mul3A_247 : i32 to vector<16xi32>
    %mul3A_249 = arith.muli %add3A_246, %mul3A_248 : vector<16xi32>
    %add3A_250 = arith.addi %mul3A_249, %get3A_242 : vector<16xi32>
    %swap3A_251 = arith.constant 32 : index
    %swap3A_252 = tpu.vector_load %arg7[%swap3A_251] {strides = array<i32>} : memref<64xi32, #tpu.memory_space<vmem>>, vector<16xi32>,
    tpu.vector_store %arg7[%swap3A_251], %add3A_250 {strides = array<i32>} : memref<64xi32, #tpu.memory_space<vmem>>, vector<16xi32>,
    %get3A_253 = arith.constant 48 : index
    %get3A_254 = tpu.vector_load %arg6[%get3A_253] {strides = array<i32>} : memref<64xi32, #tpu.memory_space<vmem>>, vector<16xi32>,
    %add3A_255 = arith.constant 48 : i32
    %add3A_256 = arith.addi %add3A_216, %add3A_255 : i32
    %add3A_257 = vector.broadcast %add3A_256 : i32 to vector<16xi32>
    %add3A_258 = arith.addi %add3A_257, %iota3A : vector<16xi32>
    %mul3A_259 = arith.constant 2048 : i32
    %mul3A_260 = vector.broadcast %mul3A_259 : i32 to vector<16xi32>
    %mul3A_261 = arith.muli %add3A_258, %mul3A_260 : vector<16xi32>
    %add3A_262 = arith.addi %mul3A_261, %get3A_254 : vector<16xi32>
    %swap3A_263 = arith.constant 48 : index
    %swap3A_264 = tpu.vector_load %arg7[%swap3A_263] {strides = array<i32>} : memref<64xi32, #tpu.memory_space<vmem>>, vector<16xi32>,
    tpu.vector_store %arg7[%swap3A_263], %add3A_262 {strides = array<i32>} : memref<64xi32, #tpu.memory_space<vmem>>, vector<16xi32>,
    %dma_start3A_265 = arith.constant 0 : i32
    %dma_start3A_266 = tpu.memref_slice %arg4[%dma_start3A_265] : memref<50331648xf32, #tpu.memory_space<hbm>> -> memref<50331648xf32, #tpu.memory_space<hbm>>
    tpu.enqueue_indirect_dma source(%arg8 : memref<64xf32, #tpu.memory_space<vmem>>) target(%dma_start3A_266 : memref<50331648xf32, #tpu.memory_space<hbm>>) offsets(%arg7 : memref<64xi32, #tpu.memory_space<vmem>>) semaphore(%arg9 : memref<!tpu.dma_semaphore, #tpu.memory_space<semaphore_mem>>)
    %dma_wait3A_267 = arith.constant 0 : i32
    %dma_wait3A_268 = tpu.memref_slice %arg4[%dma_wait3A_267] : memref<50331648xf32, #tpu.memory_space<hbm>> -> memref<50331648xf32, #tpu.memory_space<hbm>>
    tpu.wait_indirect_dma semaphore(%arg9 : memref<!tpu.dma_semaphore, #tpu.memory_space<semaphore_mem>>) src(%arg8 : memref<64xf32, #tpu.memory_space<vmem>>) dst(%dma_wait3A_268 : memref<50331648xf32, #tpu.memory_space<hbm>>)
    %add3A_269 = arith.constant 10240 : i32
    %add3A_270 = arith.addi %add3A_269, %mul3A_2 : i32
    "tpu.region"() ({
      %run_scoped3A = tpu.sem_alloc : memref<!tpu.dma_semaphore, #tpu.memory_space<semaphore_mem>>
      %dma_start3A_647 = tpu.memref_slice %arg2[%add3A_270] : memref<24576xi32, #tpu.memory_space<hbm>> -> memref<64xi32, #tpu.memory_space<hbm>>
      %dma_start3A_648 = tpu.memref_slice %arg2[%add3A_270] : memref<24576xi32, #tpu.memory_space<hbm>> -> memref<64xi32, #tpu.memory_space<hbm>>
      tpu.enqueue_dma source(%dma_start3A_648 : memref<64xi32, #tpu.memory_space<hbm>>) target(%arg6 : memref<64xi32, #tpu.memory_space<vmem>>) target_semaphore(%run_scoped3A : memref<!tpu.dma_semaphore, #tpu.memory_space<semaphore_mem>>)
      %dma_wait3A_649 = tpu.memref_slice %arg2[%add3A_270] : memref<24576xi32, #tpu.memory_space<hbm>> -> memref<64xi32, #tpu.memory_space<hbm>>
      %dma_wait3A_650 = tpu.memref_slice %arg2[%add3A_270] : memref<24576xi32, #tpu.memory_space<hbm>> -> memref<64xi32, #tpu.memory_space<hbm>>
      tpu.wait_dma2 semaphore(%run_scoped3A : memref<!tpu.dma_semaphore, #tpu.memory_space<semaphore_mem>>) src(%dma_wait3A_650 : memref<64xi32, #tpu.memory_space<hbm>>) dst(%arg6 : memref<64xi32, #tpu.memory_space<vmem>>)
      tpu.yield
    }) : () -> ()
    %get3A_271 = arith.constant 0 : index
    %get3A_272 = tpu.vector_load %arg6[%get3A_271] {strides = array<i32>} : memref<64xi32, #tpu.memory_space<vmem>>, vector<16xi32>,
    %add3A_273 = arith.constant 0 : i32
    %add3A_274 = arith.addi %add3A_270, %add3A_273 : i32
    %add3A_275 = vector.broadcast %add3A_274 : i32 to vector<16xi32>
    %add3A_276 = arith.addi %add3A_275, %iota3A : vector<16xi32>
    %mul3A_277 = arith.constant 2048 : i32
    %mul3A_278 = vector.broadcast %mul3A_277 : i32 to vector<16xi32>
    %mul3A_279 = arith.muli %add3A_276, %mul3A_278 : vector<16xi32>
    %add3A_280 = arith.addi %mul3A_279, %get3A_272 : vector<16xi32>
    %swap3A_281 = arith.constant 0 : index
    %swap3A_282 = tpu.vector_load %arg7[%swap3A_281] {strides = array<i32>} : memref<64xi32, #tpu.memory_space<vmem>>, vector<16xi32>,
    tpu.vector_store %arg7[%swap3A_281], %add3A_280 {strides = array<i32>} : memref<64xi32, #tpu.memory_space<vmem>>, vector<16xi32>,
    %get3A_283 = arith.constant 16 : index
    %get3A_284 = tpu.vector_load %arg6[%get3A_283] {strides = array<i32>} : memref<64xi32, #tpu.memory_space<vmem>>, vector<16xi32>,
    %add3A_285 = arith.constant 16 : i32
    %add3A_286 = arith.addi %add3A_270, %add3A_285 : i32
    %add3A_287 = vector.broadcast %add3A_286 : i32 to vector<16xi32>
    %add3A_288 = arith.addi %add3A_287, %iota3A : vector<16xi32>
    %mul3A_289 = arith.constant 2048 : i32
    %mul3A_290 = vector.broadcast %mul3A_289 : i32 to vector<16xi32>
    %mul3A_291 = arith.muli %add3A_288, %mul3A_290 : vector<16xi32>
    %add3A_292 = arith.addi %mul3A_291, %get3A_284 : vector<16xi32>
    %swap3A_293 = arith.constant 16 : index
    %swap3A_294 = tpu.vector_load %arg7[%swap3A_293] {strides = array<i32>} : memref<64xi32, #tpu.memory_space<vmem>>, vector<16xi32>,
    tpu.vector_store %arg7[%swap3A_293], %add3A_292 {strides = array<i32>} : memref<64xi32, #tpu.memory_space<vmem>>, vector<16xi32>,
    %get3A_295 = arith.constant 32 : index
    %get3A_296 = tpu.vector_load %arg6[%get3A_295] {strides = array<i32>} : memref<64xi32, #tpu.memory_space<vmem>>, vector<16xi32>,
    %add3A_297 = arith.constant 32 : i32
    %add3A_298 = arith.addi %add3A_270, %add3A_297 : i32
    %add3A_299 = vector.broadcast %add3A_298 : i32 to vector<16xi32>
    %add3A_300 = arith.addi %add3A_299, %iota3A : vector<16xi32>
    %mul3A_301 = arith.constant 2048 : i32
    %mul3A_302 = vector.broadcast %mul3A_301 : i32 to vector<16xi32>
    %mul3A_303 = arith.muli %add3A_300, %mul3A_302 : vector<16xi32>
    %add3A_304 = arith.addi %mul3A_303, %get3A_296 : vector<16xi32>
    %swap3A_305 = arith.constant 32 : index
    %swap3A_306 = tpu.vector_load %arg7[%swap3A_305] {strides = array<i32>} : memref<64xi32, #tpu.memory_space<vmem>>, vector<16xi32>,
    tpu.vector_store %arg7[%swap3A_305], %add3A_304 {strides = array<i32>} : memref<64xi32, #tpu.memory_space<vmem>>, vector<16xi32>,
    %get3A_307 = arith.constant 48 : index
    %get3A_308 = tpu.vector_load %arg6[%get3A_307] {strides = array<i32>} : memref<64xi32, #tpu.memory_space<vmem>>, vector<16xi32>,
    %add3A_309 = arith.constant 48 : i32
    %add3A_310 = arith.addi %add3A_270, %add3A_309 : i32
    %add3A_311 = vector.broadcast %add3A_310 : i32 to vector<16xi32>
    %add3A_312 = arith.addi %add3A_311, %iota3A : vector<16xi32>
    %mul3A_313 = arith.constant 2048 : i32
    %mul3A_314 = vector.broadcast %mul3A_313 : i32 to vector<16xi32>
    %mul3A_315 = arith.muli %add3A_312, %mul3A_314 : vector<16xi32>
    %add3A_316 = arith.addi %mul3A_315, %get3A_308 : vector<16xi32>
    %swap3A_317 = arith.constant 48 : index
    %swap3A_318 = tpu.vector_load %arg7[%swap3A_317] {strides = array<i32>} : memref<64xi32, #tpu.memory_space<vmem>>, vector<16xi32>,
    tpu.vector_store %arg7[%swap3A_317], %add3A_316 {strides = array<i32>} : memref<64xi32, #tpu.memory_space<vmem>>, vector<16xi32>,
    %dma_start3A_319 = arith.constant 0 : i32
    %dma_start3A_320 = tpu.memref_slice %arg4[%dma_start3A_319] : memref<50331648xf32, #tpu.memory_space<hbm>> -> memref<50331648xf32, #tpu.memory_space<hbm>>
    tpu.enqueue_indirect_dma source(%arg8 : memref<64xf32, #tpu.memory_space<vmem>>) target(%dma_start3A_320 : memref<50331648xf32, #tpu.memory_space<hbm>>) offsets(%arg7 : memref<64xi32, #tpu.memory_space<vmem>>) semaphore(%arg9 : memref<!tpu.dma_semaphore, #tpu.memory_space<semaphore_mem>>)
    %dma_wait3A_321 = arith.constant 0 : i32
    %dma_wait3A_322 = tpu.memref_slice %arg4[%dma_wait3A_321] : memref<50331648xf32, #tpu.memory_space<hbm>> -> memref<50331648xf32, #tpu.memory_space<hbm>>
    tpu.wait_indirect_dma semaphore(%arg9 : memref<!tpu.dma_semaphore, #tpu.memory_space<semaphore_mem>>) src(%arg8 : memref<64xf32, #tpu.memory_space<vmem>>) dst(%dma_wait3A_322 : memref<50331648xf32, #tpu.memory_space<hbm>>)
    %add3A_323 = arith.constant 12288 : i32
    %add3A_324 = arith.addi %add3A_323, %mul3A_2 : i32
    "tpu.region"() ({
      %run_scoped3A = tpu.sem_alloc : memref<!tpu.dma_semaphore, #tpu.memory_space<semaphore_mem>>
      %dma_start3A_647 = tpu.memref_slice %arg2[%add3A_324] : memref<24576xi32, #tpu.memory_space<hbm>> -> memref<64xi32, #tpu.memory_space<hbm>>
      %dma_start3A_648 = tpu.memref_slice %arg2[%add3A_324] : memref<24576xi32, #tpu.memory_space<hbm>> -> memref<64xi32, #tpu.memory_space<hbm>>
      tpu.enqueue_dma source(%dma_start3A_648 : memref<64xi32, #tpu.memory_space<hbm>>) target(%arg6 : memref<64xi32, #tpu.memory_space<vmem>>) target_semaphore(%run_scoped3A : memref<!tpu.dma_semaphore, #tpu.memory_space<semaphore_mem>>)
      %dma_wait3A_649 = tpu.memref_slice %arg2[%add3A_324] : memref<24576xi32, #tpu.memory_space<hbm>> -> memref<64xi32, #tpu.memory_space<hbm>>
      %dma_wait3A_650 = tpu.memref_slice %arg2[%add3A_324] : memref<24576xi32, #tpu.memory_space<hbm>> -> memref<64xi32, #tpu.memory_space<hbm>>
      tpu.wait_dma2 semaphore(%run_scoped3A : memref<!tpu.dma_semaphore, #tpu.memory_space<semaphore_mem>>) src(%dma_wait3A_650 : memref<64xi32, #tpu.memory_space<hbm>>) dst(%arg6 : memref<64xi32, #tpu.memory_space<vmem>>)
      tpu.yield
    }) : () -> ()
    %get3A_325 = arith.constant 0 : index
    %get3A_326 = tpu.vector_load %arg6[%get3A_325] {strides = array<i32>} : memref<64xi32, #tpu.memory_space<vmem>>, vector<16xi32>,
    %add3A_327 = arith.constant 0 : i32
    %add3A_328 = arith.addi %add3A_324, %add3A_327 : i32
    %add3A_329 = vector.broadcast %add3A_328 : i32 to vector<16xi32>
    %add3A_330 = arith.addi %add3A_329, %iota3A : vector<16xi32>
    %mul3A_331 = arith.constant 2048 : i32
    %mul3A_332 = vector.broadcast %mul3A_331 : i32 to vector<16xi32>
    %mul3A_333 = arith.muli %add3A_330, %mul3A_332 : vector<16xi32>
    %add3A_334 = arith.addi %mul3A_333, %get3A_326 : vector<16xi32>
    %swap3A_335 = arith.constant 0 : index
    %swap3A_336 = tpu.vector_load %arg7[%swap3A_335] {strides = array<i32>} : memref<64xi32, #tpu.memory_space<vmem>>, vector<16xi32>,
    tpu.vector_store %arg7[%swap3A_335], %add3A_334 {strides = array<i32>} : memref<64xi32, #tpu.memory_space<vmem>>, vector<16xi32>,
    %get3A_337 = arith.constant 16 : index
    %get3A_338 = tpu.vector_load %arg6[%get3A_337] {strides = array<i32>} : memref<64xi32, #tpu.memory_space<vmem>>, vector<16xi32>,
    %add3A_339 = arith.constant 16 : i32
    %add3A_340 = arith.addi %add3A_324, %add3A_339 : i32
    %add3A_341 = vector.broadcast %add3A_340 : i32 to vector<16xi32>
    %add3A_342 = arith.addi %add3A_341, %iota3A : vector<16xi32>
    %mul3A_343 = arith.constant 2048 : i32
    %mul3A_344 = vector.broadcast %mul3A_343 : i32 to vector<16xi32>
    %mul3A_345 = arith.muli %add3A_342, %mul3A_344 : vector<16xi32>
    %add3A_346 = arith.addi %mul3A_345, %get3A_338 : vector<16xi32>
    %swap3A_347 = arith.constant 16 : index
    %swap3A_348 = tpu.vector_load %arg7[%swap3A_347] {strides = array<i32>} : memref<64xi32, #tpu.memory_space<vmem>>, vector<16xi32>,
    tpu.vector_store %arg7[%swap3A_347], %add3A_346 {strides = array<i32>} : memref<64xi32, #tpu.memory_space<vmem>>, vector<16xi32>,
    %get3A_349 = arith.constant 32 : index
    %get3A_350 = tpu.vector_load %arg6[%get3A_349] {strides = array<i32>} : memref<64xi32, #tpu.memory_space<vmem>>, vector<16xi32>,
    %add3A_351 = arith.constant 32 : i32
    %add3A_352 = arith.addi %add3A_324, %add3A_351 : i32
    %add3A_353 = vector.broadcast %add3A_352 : i32 to vector<16xi32>
    %add3A_354 = arith.addi %add3A_353, %iota3A : vector<16xi32>
    %mul3A_355 = arith.constant 2048 : i32
    %mul3A_356 = vector.broadcast %mul3A_355 : i32 to vector<16xi32>
    %mul3A_357 = arith.muli %add3A_354, %mul3A_356 : vector<16xi32>
    %add3A_358 = arith.addi %mul3A_357, %get3A_350 : vector<16xi32>
    %swap3A_359 = arith.constant 32 : index
    %swap3A_360 = tpu.vector_load %arg7[%swap3A_359] {strides = array<i32>} : memref<64xi32, #tpu.memory_space<vmem>>, vector<16xi32>,
    tpu.vector_store %arg7[%swap3A_359], %add3A_358 {strides = array<i32>} : memref<64xi32, #tpu.memory_space<vmem>>, vector<16xi32>,
    %get3A_361 = arith.constant 48 : index
    %get3A_362 = tpu.vector_load %arg6[%get3A_361] {strides = array<i32>} : memref<64xi32, #tpu.memory_space<vmem>>, vector<16xi32>,
    %add3A_363 = arith.constant 48 : i32
    %add3A_364 = arith.addi %add3A_324, %add3A_363 : i32
    %add3A_365 = vector.broadcast %add3A_364 : i32 to vector<16xi32>
    %add3A_366 = arith.addi %add3A_365, %iota3A : vector<16xi32>
    %mul3A_367 = arith.constant 2048 : i32
    %mul3A_368 = vector.broadcast %mul3A_367 : i32 to vector<16xi32>
    %mul3A_369 = arith.muli %add3A_366, %mul3A_368 : vector<16xi32>
    %add3A_370 = arith.addi %mul3A_369, %get3A_362 : vector<16xi32>
    %swap3A_371 = arith.constant 48 : index
    %swap3A_372 = tpu.vector_load %arg7[%swap3A_371] {strides = array<i32>} : memref<64xi32, #tpu.memory_space<vmem>>, vector<16xi32>,
    tpu.vector_store %arg7[%swap3A_371], %add3A_370 {strides = array<i32>} : memref<64xi32, #tpu.memory_space<vmem>>, vector<16xi32>,
    %dma_start3A_373 = arith.constant 0 : i32
    %dma_start3A_374 = tpu.memref_slice %arg4[%dma_start3A_373] : memref<50331648xf32, #tpu.memory_space<hbm>> -> memref<50331648xf32, #tpu.memory_space<hbm>>
    tpu.enqueue_indirect_dma source(%arg8 : memref<64xf32, #tpu.memory_space<vmem>>) target(%dma_start3A_374 : memref<50331648xf32, #tpu.memory_space<hbm>>) offsets(%arg7 : memref<64xi32, #tpu.memory_space<vmem>>) semaphore(%arg9 : memref<!tpu.dma_semaphore, #tpu.memory_space<semaphore_mem>>)
    %dma_wait3A_375 = arith.constant 0 : i32
    %dma_wait3A_376 = tpu.memref_slice %arg4[%dma_wait3A_375] : memref<50331648xf32, #tpu.memory_space<hbm>> -> memref<50331648xf32, #tpu.memory_space<hbm>>
    tpu.wait_indirect_dma semaphore(%arg9 : memref<!tpu.dma_semaphore, #tpu.memory_space<semaphore_mem>>) src(%arg8 : memref<64xf32, #tpu.memory_space<vmem>>) dst(%dma_wait3A_376 : memref<50331648xf32, #tpu.memory_space<hbm>>)
    %add3A_377 = arith.constant 14336 : i32
    %add3A_378 = arith.addi %add3A_377, %mul3A_2 : i32
    "tpu.region"() ({
      %run_scoped3A = tpu.sem_alloc : memref<!tpu.dma_semaphore, #tpu.memory_space<semaphore_mem>>
      %dma_start3A_647 = tpu.memref_slice %arg2[%add3A_378] : memref<24576xi32, #tpu.memory_space<hbm>> -> memref<64xi32, #tpu.memory_space<hbm>>
      %dma_start3A_648 = tpu.memref_slice %arg2[%add3A_378] : memref<24576xi32, #tpu.memory_space<hbm>> -> memref<64xi32, #tpu.memory_space<hbm>>
      tpu.enqueue_dma source(%dma_start3A_648 : memref<64xi32, #tpu.memory_space<hbm>>) target(%arg6 : memref<64xi32, #tpu.memory_space<vmem>>) target_semaphore(%run_scoped3A : memref<!tpu.dma_semaphore, #tpu.memory_space<semaphore_mem>>)
      %dma_wait3A_649 = tpu.memref_slice %arg2[%add3A_378] : memref<24576xi32, #tpu.memory_space<hbm>> -> memref<64xi32, #tpu.memory_space<hbm>>
      %dma_wait3A_650 = tpu.memref_slice %arg2[%add3A_378] : memref<24576xi32, #tpu.memory_space<hbm>> -> memref<64xi32, #tpu.memory_space<hbm>>
      tpu.wait_dma2 semaphore(%run_scoped3A : memref<!tpu.dma_semaphore, #tpu.memory_space<semaphore_mem>>) src(%dma_wait3A_650 : memref<64xi32, #tpu.memory_space<hbm>>) dst(%arg6 : memref<64xi32, #tpu.memory_space<vmem>>)
      tpu.yield
    }) : () -> ()
    %get3A_379 = arith.constant 0 : index
    %get3A_380 = tpu.vector_load %arg6[%get3A_379] {strides = array<i32>} : memref<64xi32, #tpu.memory_space<vmem>>, vector<16xi32>,
    %add3A_381 = arith.constant 0 : i32
    %add3A_382 = arith.addi %add3A_378, %add3A_381 : i32
    %add3A_383 = vector.broadcast %add3A_382 : i32 to vector<16xi32>
    %add3A_384 = arith.addi %add3A_383, %iota3A : vector<16xi32>
    %mul3A_385 = arith.constant 2048 : i32
    %mul3A_386 = vector.broadcast %mul3A_385 : i32 to vector<16xi32>
    %mul3A_387 = arith.muli %add3A_384, %mul3A_386 : vector<16xi32>
    %add3A_388 = arith.addi %mul3A_387, %get3A_380 : vector<16xi32>
    %swap3A_389 = arith.constant 0 : index
    %swap3A_390 = tpu.vector_load %arg7[%swap3A_389] {strides = array<i32>} : memref<64xi32, #tpu.memory_space<vmem>>, vector<16xi32>,
    tpu.vector_store %arg7[%swap3A_389], %add3A_388 {strides = array<i32>} : memref<64xi32, #tpu.memory_space<vmem>>, vector<16xi32>,
    %get3A_391 = arith.constant 16 : index
    %get3A_392 = tpu.vector_load %arg6[%get3A_391] {strides = array<i32>} : memref<64xi32, #tpu.memory_space<vmem>>, vector<16xi32>,
    %add3A_393 = arith.constant 16 : i32
    %add3A_394 = arith.addi %add3A_378, %add3A_393 : i32
    %add3A_395 = vector.broadcast %add3A_394 : i32 to vector<16xi32>
    %add3A_396 = arith.addi %add3A_395, %iota3A : vector<16xi32>
    %mul3A_397 = arith.constant 2048 : i32
    %mul3A_398 = vector.broadcast %mul3A_397 : i32 to vector<16xi32>
    %mul3A_399 = arith.muli %add3A_396, %mul3A_398 : vector<16xi32>
    %add3A_400 = arith.addi %mul3A_399, %get3A_392 : vector<16xi32>
    %swap3A_401 = arith.constant 16 : index
    %swap3A_402 = tpu.vector_load %arg7[%swap3A_401] {strides = array<i32>} : memref<64xi32, #tpu.memory_space<vmem>>, vector<16xi32>,
    tpu.vector_store %arg7[%swap3A_401], %add3A_400 {strides = array<i32>} : memref<64xi32, #tpu.memory_space<vmem>>, vector<16xi32>,
    %get3A_403 = arith.constant 32 : index
    %get3A_404 = tpu.vector_load %arg6[%get3A_403] {strides = array<i32>} : memref<64xi32, #tpu.memory_space<vmem>>, vector<16xi32>,
    %add3A_405 = arith.constant 32 : i32
    %add3A_406 = arith.addi %add3A_378, %add3A_405 : i32
    %add3A_407 = vector.broadcast %add3A_406 : i32 to vector<16xi32>
    %add3A_408 = arith.addi %add3A_407, %iota3A : vector<16xi32>
    %mul3A_409 = arith.constant 2048 : i32
    %mul3A_410 = vector.broadcast %mul3A_409 : i32 to vector<16xi32>
    %mul3A_411 = arith.muli %add3A_408, %mul3A_410 : vector<16xi32>
    %add3A_412 = arith.addi %mul3A_411, %get3A_404 : vector<16xi32>
    %swap3A_413 = arith.constant 32 : index
    %swap3A_414 = tpu.vector_load %arg7[%swap3A_413] {strides = array<i32>} : memref<64xi32, #tpu.memory_space<vmem>>, vector<16xi32>,
    tpu.vector_store %arg7[%swap3A_413], %add3A_412 {strides = array<i32>} : memref<64xi32, #tpu.memory_space<vmem>>, vector<16xi32>,
    %get3A_415 = arith.constant 48 : index
    %get3A_416 = tpu.vector_load %arg6[%get3A_415] {strides = array<i32>} : memref<64xi32, #tpu.memory_space<vmem>>, vector<16xi32>,
    %add3A_417 = arith.constant 48 : i32
    %add3A_418 = arith.addi %add3A_378, %add3A_417 : i32
    %add3A_419 = vector.broadcast %add3A_418 : i32 to vector<16xi32>
    %add3A_420 = arith.addi %add3A_419, %iota3A : vector<16xi32>
    %mul3A_421 = arith.constant 2048 : i32
    %mul3A_422 = vector.broadcast %mul3A_421 : i32 to vector<16xi32>
    %mul3A_423 = arith.muli %add3A_420, %mul3A_422 : vector<16xi32>
    %add3A_424 = arith.addi %mul3A_423, %get3A_416 : vector<16xi32>
    %swap3A_425 = arith.constant 48 : index
    %swap3A_426 = tpu.vector_load %arg7[%swap3A_425] {strides = array<i32>} : memref<64xi32, #tpu.memory_space<vmem>>, vector<16xi32>,
    tpu.vector_store %arg7[%swap3A_425], %add3A_424 {strides = array<i32>} : memref<64xi32, #tpu.memory_space<vmem>>, vector<16xi32>,
    %dma_start3A_427 = arith.constant 0 : i32
    %dma_start3A_428 = tpu.memref_slice %arg4[%dma_start3A_427] : memref<50331648xf32, #tpu.memory_space<hbm>> -> memref<50331648xf32, #tpu.memory_space<hbm>>
    tpu.enqueue_indirect_dma source(%arg8 : memref<64xf32, #tpu.memory_space<vmem>>) target(%dma_start3A_428 : memref<50331648xf32, #tpu.memory_space<hbm>>) offsets(%arg7 : memref<64xi32, #tpu.memory_space<vmem>>) semaphore(%arg9 : memref<!tpu.dma_semaphore, #tpu.memory_space<semaphore_mem>>)
    %dma_wait3A_429 = arith.constant 0 : i32
    %dma_wait3A_430 = tpu.memref_slice %arg4[%dma_wait3A_429] : memref<50331648xf32, #tpu.memory_space<hbm>> -> memref<50331648xf32, #tpu.memory_space<hbm>>
    tpu.wait_indirect_dma semaphore(%arg9 : memref<!tpu.dma_semaphore, #tpu.memory_space<semaphore_mem>>) src(%arg8 : memref<64xf32, #tpu.memory_space<vmem>>) dst(%dma_wait3A_430 : memref<50331648xf32, #tpu.memory_space<hbm>>)
    %add3A_431 = arith.constant 16384 : i32
    %add3A_432 = arith.addi %add3A_431, %mul3A_2 : i32
    "tpu.region"() ({
      %run_scoped3A = tpu.sem_alloc : memref<!tpu.dma_semaphore, #tpu.memory_space<semaphore_mem>>
      %dma_start3A_647 = tpu.memref_slice %arg2[%add3A_432] : memref<24576xi32, #tpu.memory_space<hbm>> -> memref<64xi32, #tpu.memory_space<hbm>>
      %dma_start3A_648 = tpu.memref_slice %arg2[%add3A_432] : memref<24576xi32, #tpu.memory_space<hbm>> -> memref<64xi32, #tpu.memory_space<hbm>>
      tpu.enqueue_dma source(%dma_start3A_648 : memref<64xi32, #tpu.memory_space<hbm>>) target(%arg6 : memref<64xi32, #tpu.memory_space<vmem>>) target_semaphore(%run_scoped3A : memref<!tpu.dma_semaphore, #tpu.memory_space<semaphore_mem>>)
      %dma_wait3A_649 = tpu.memref_slice %arg2[%add3A_432] : memref<24576xi32, #tpu.memory_space<hbm>> -> memref<64xi32, #tpu.memory_space<hbm>>
      %dma_wait3A_650 = tpu.memref_slice %arg2[%add3A_432] : memref<24576xi32, #tpu.memory_space<hbm>> -> memref<64xi32, #tpu.memory_space<hbm>>
      tpu.wait_dma2 semaphore(%run_scoped3A : memref<!tpu.dma_semaphore, #tpu.memory_space<semaphore_mem>>) src(%dma_wait3A_650 : memref<64xi32, #tpu.memory_space<hbm>>) dst(%arg6 : memref<64xi32, #tpu.memory_space<vmem>>)
      tpu.yield
    }) : () -> ()
    %get3A_433 = arith.constant 0 : index
    %get3A_434 = tpu.vector_load %arg6[%get3A_433] {strides = array<i32>} : memref<64xi32, #tpu.memory_space<vmem>>, vector<16xi32>,
    %add3A_435 = arith.constant 0 : i32
    %add3A_436 = arith.addi %add3A_432, %add3A_435 : i32
    %add3A_437 = vector.broadcast %add3A_436 : i32 to vector<16xi32>
    %add3A_438 = arith.addi %add3A_437, %iota3A : vector<16xi32>
    %mul3A_439 = arith.constant 2048 : i32
    %mul3A_440 = vector.broadcast %mul3A_439 : i32 to vector<16xi32>
    %mul3A_441 = arith.muli %add3A_438, %mul3A_440 : vector<16xi32>
    %add3A_442 = arith.addi %mul3A_441, %get3A_434 : vector<16xi32>
    %swap3A_443 = arith.constant 0 : index
    %swap3A_444 = tpu.vector_load %arg7[%swap3A_443] {strides = array<i32>} : memref<64xi32, #tpu.memory_space<vmem>>, vector<16xi32>,
    tpu.vector_store %arg7[%swap3A_443], %add3A_442 {strides = array<i32>} : memref<64xi32, #tpu.memory_space<vmem>>, vector<16xi32>,
    %get3A_445 = arith.constant 16 : index
    %get3A_446 = tpu.vector_load %arg6[%get3A_445] {strides = array<i32>} : memref<64xi32, #tpu.memory_space<vmem>>, vector<16xi32>,
    %add3A_447 = arith.constant 16 : i32
    %add3A_448 = arith.addi %add3A_432, %add3A_447 : i32
    %add3A_449 = vector.broadcast %add3A_448 : i32 to vector<16xi32>
    %add3A_450 = arith.addi %add3A_449, %iota3A : vector<16xi32>
    %mul3A_451 = arith.constant 2048 : i32
    %mul3A_452 = vector.broadcast %mul3A_451 : i32 to vector<16xi32>
    %mul3A_453 = arith.muli %add3A_450, %mul3A_452 : vector<16xi32>
    %add3A_454 = arith.addi %mul3A_453, %get3A_446 : vector<16xi32>
    %swap3A_455 = arith.constant 16 : index
    %swap3A_456 = tpu.vector_load %arg7[%swap3A_455] {strides = array<i32>} : memref<64xi32, #tpu.memory_space<vmem>>, vector<16xi32>,
    tpu.vector_store %arg7[%swap3A_455], %add3A_454 {strides = array<i32>} : memref<64xi32, #tpu.memory_space<vmem>>, vector<16xi32>,
    %get3A_457 = arith.constant 32 : index
    %get3A_458 = tpu.vector_load %arg6[%get3A_457] {strides = array<i32>} : memref<64xi32, #tpu.memory_space<vmem>>, vector<16xi32>,
    %add3A_459 = arith.constant 32 : i32
    %add3A_460 = arith.addi %add3A_432, %add3A_459 : i32
    %add3A_461 = vector.broadcast %add3A_460 : i32 to vector<16xi32>
    %add3A_462 = arith.addi %add3A_461, %iota3A : vector<16xi32>
    %mul3A_463 = arith.constant 2048 : i32
    %mul3A_464 = vector.broadcast %mul3A_463 : i32 to vector<16xi32>
    %mul3A_465 = arith.muli %add3A_462, %mul3A_464 : vector<16xi32>
    %add3A_466 = arith.addi %mul3A_465, %get3A_458 : vector<16xi32>
    %swap3A_467 = arith.constant 32 : index
    %swap3A_468 = tpu.vector_load %arg7[%swap3A_467] {strides = array<i32>} : memref<64xi32, #tpu.memory_space<vmem>>, vector<16xi32>,
    tpu.vector_store %arg7[%swap3A_467], %add3A_466 {strides = array<i32>} : memref<64xi32, #tpu.memory_space<vmem>>, vector<16xi32>,
    %get3A_469 = arith.constant 48 : index
    %get3A_470 = tpu.vector_load %arg6[%get3A_469] {strides = array<i32>} : memref<64xi32, #tpu.memory_space<vmem>>, vector<16xi32>,
    %add3A_471 = arith.constant 48 : i32
    %add3A_472 = arith.addi %add3A_432, %add3A_471 : i32
    %add3A_473 = vector.broadcast %add3A_472 : i32 to vector<16xi32>
    %add3A_474 = arith.addi %add3A_473, %iota3A : vector<16xi32>
    %mul3A_475 = arith.constant 2048 : i32
    %mul3A_476 = vector.broadcast %mul3A_475 : i32 to vector<16xi32>
    %mul3A_477 = arith.muli %add3A_474, %mul3A_476 : vector<16xi32>
    %add3A_478 = arith.addi %mul3A_477, %get3A_470 : vector<16xi32>
    %swap3A_479 = arith.constant 48 : index
    %swap3A_480 = tpu.vector_load %arg7[%swap3A_479] {strides = array<i32>} : memref<64xi32, #tpu.memory_space<vmem>>, vector<16xi32>,
    tpu.vector_store %arg7[%swap3A_479], %add3A_478 {strides = array<i32>} : memref<64xi32, #tpu.memory_space<vmem>>, vector<16xi32>,
    %dma_start3A_481 = arith.constant 0 : i32
    %dma_start3A_482 = tpu.memref_slice %arg4[%dma_start3A_481] : memref<50331648xf32, #tpu.memory_space<hbm>> -> memref<50331648xf32, #tpu.memory_space<hbm>>
    tpu.enqueue_indirect_dma source(%arg8 : memref<64xf32, #tpu.memory_space<vmem>>) target(%dma_start3A_482 : memref<50331648xf32, #tpu.memory_space<hbm>>) offsets(%arg7 : memref<64xi32, #tpu.memory_space<vmem>>) semaphore(%arg9 : memref<!tpu.dma_semaphore, #tpu.memory_space<semaphore_mem>>)
    %dma_wait3A_483 = arith.constant 0 : i32
    %dma_wait3A_484 = tpu.memref_slice %arg4[%dma_wait3A_483] : memref<50331648xf32, #tpu.memory_space<hbm>> -> memref<50331648xf32, #tpu.memory_space<hbm>>
    tpu.wait_indirect_dma semaphore(%arg9 : memref<!tpu.dma_semaphore, #tpu.memory_space<semaphore_mem>>) src(%arg8 : memref<64xf32, #tpu.memory_space<vmem>>) dst(%dma_wait3A_484 : memref<50331648xf32, #tpu.memory_space<hbm>>)
    %add3A_485 = arith.constant 18432 : i32
    %add3A_486 = arith.addi %add3A_485, %mul3A_2 : i32
    "tpu.region"() ({
      %run_scoped3A = tpu.sem_alloc : memref<!tpu.dma_semaphore, #tpu.memory_space<semaphore_mem>>
      %dma_start3A_647 = tpu.memref_slice %arg2[%add3A_486] : memref<24576xi32, #tpu.memory_space<hbm>> -> memref<64xi32, #tpu.memory_space<hbm>>
      %dma_start3A_648 = tpu.memref_slice %arg2[%add3A_486] : memref<24576xi32, #tpu.memory_space<hbm>> -> memref<64xi32, #tpu.memory_space<hbm>>
      tpu.enqueue_dma source(%dma_start3A_648 : memref<64xi32, #tpu.memory_space<hbm>>) target(%arg6 : memref<64xi32, #tpu.memory_space<vmem>>) target_semaphore(%run_scoped3A : memref<!tpu.dma_semaphore, #tpu.memory_space<semaphore_mem>>)
      %dma_wait3A_649 = tpu.memref_slice %arg2[%add3A_486] : memref<24576xi32, #tpu.memory_space<hbm>> -> memref<64xi32, #tpu.memory_space<hbm>>
      %dma_wait3A_650 = tpu.memref_slice %arg2[%add3A_486] : memref<24576xi32, #tpu.memory_space<hbm>> -> memref<64xi32, #tpu.memory_space<hbm>>
      tpu.wait_dma2 semaphore(%run_scoped3A : memref<!tpu.dma_semaphore, #tpu.memory_space<semaphore_mem>>) src(%dma_wait3A_650 : memref<64xi32, #tpu.memory_space<hbm>>) dst(%arg6 : memref<64xi32, #tpu.memory_space<vmem>>)
      tpu.yield
    }) : () -> ()
    %get3A_487 = arith.constant 0 : index
    %get3A_488 = tpu.vector_load %arg6[%get3A_487] {strides = array<i32>} : memref<64xi32, #tpu.memory_space<vmem>>, vector<16xi32>,
    %add3A_489 = arith.constant 0 : i32
    %add3A_490 = arith.addi %add3A_486, %add3A_489 : i32
    %add3A_491 = vector.broadcast %add3A_490 : i32 to vector<16xi32>
    %add3A_492 = arith.addi %add3A_491, %iota3A : vector<16xi32>
    %mul3A_493 = arith.constant 2048 : i32
    %mul3A_494 = vector.broadcast %mul3A_493 : i32 to vector<16xi32>
    %mul3A_495 = arith.muli %add3A_492, %mul3A_494 : vector<16xi32>
    %add3A_496 = arith.addi %mul3A_495, %get3A_488 : vector<16xi32>
    %swap3A_497 = arith.constant 0 : index
    %swap3A_498 = tpu.vector_load %arg7[%swap3A_497] {strides = array<i32>} : memref<64xi32, #tpu.memory_space<vmem>>, vector<16xi32>,
    tpu.vector_store %arg7[%swap3A_497], %add3A_496 {strides = array<i32>} : memref<64xi32, #tpu.memory_space<vmem>>, vector<16xi32>,
    %get3A_499 = arith.constant 16 : index
    %get3A_500 = tpu.vector_load %arg6[%get3A_499] {strides = array<i32>} : memref<64xi32, #tpu.memory_space<vmem>>, vector<16xi32>,
    %add3A_501 = arith.constant 16 : i32
    %add3A_502 = arith.addi %add3A_486, %add3A_501 : i32
    %add3A_503 = vector.broadcast %add3A_502 : i32 to vector<16xi32>
    %add3A_504 = arith.addi %add3A_503, %iota3A : vector<16xi32>
    %mul3A_505 = arith.constant 2048 : i32
    %mul3A_506 = vector.broadcast %mul3A_505 : i32 to vector<16xi32>
    %mul3A_507 = arith.muli %add3A_504, %mul3A_506 : vector<16xi32>
    %add3A_508 = arith.addi %mul3A_507, %get3A_500 : vector<16xi32>
    %swap3A_509 = arith.constant 16 : index
    %swap3A_510 = tpu.vector_load %arg7[%swap3A_509] {strides = array<i32>} : memref<64xi32, #tpu.memory_space<vmem>>, vector<16xi32>,
    tpu.vector_store %arg7[%swap3A_509], %add3A_508 {strides = array<i32>} : memref<64xi32, #tpu.memory_space<vmem>>, vector<16xi32>,
    %get3A_511 = arith.constant 32 : index
    %get3A_512 = tpu.vector_load %arg6[%get3A_511] {strides = array<i32>} : memref<64xi32, #tpu.memory_space<vmem>>, vector<16xi32>,
    %add3A_513 = arith.constant 32 : i32
    %add3A_514 = arith.addi %add3A_486, %add3A_513 : i32
    %add3A_515 = vector.broadcast %add3A_514 : i32 to vector<16xi32>
    %add3A_516 = arith.addi %add3A_515, %iota3A : vector<16xi32>
    %mul3A_517 = arith.constant 2048 : i32
    %mul3A_518 = vector.broadcast %mul3A_517 : i32 to vector<16xi32>
    %mul3A_519 = arith.muli %add3A_516, %mul3A_518 : vector<16xi32>
    %add3A_520 = arith.addi %mul3A_519, %get3A_512 : vector<16xi32>
    %swap3A_521 = arith.constant 32 : index
    %swap3A_522 = tpu.vector_load %arg7[%swap3A_521] {strides = array<i32>} : memref<64xi32, #tpu.memory_space<vmem>>, vector<16xi32>,
    tpu.vector_store %arg7[%swap3A_521], %add3A_520 {strides = array<i32>} : memref<64xi32, #tpu.memory_space<vmem>>, vector<16xi32>,
    %get3A_523 = arith.constant 48 : index
    %get3A_524 = tpu.vector_load %arg6[%get3A_523] {strides = array<i32>} : memref<64xi32, #tpu.memory_space<vmem>>, vector<16xi32>,
    %add3A_525 = arith.constant 48 : i32
    %add3A_526 = arith.addi %add3A_486, %add3A_525 : i32
    %add3A_527 = vector.broadcast %add3A_526 : i32 to vector<16xi32>
    %add3A_528 = arith.addi %add3A_527, %iota3A : vector<16xi32>
    %mul3A_529 = arith.constant 2048 : i32
    %mul3A_530 = vector.broadcast %mul3A_529 : i32 to vector<16xi32>
    %mul3A_531 = arith.muli %add3A_528, %mul3A_530 : vector<16xi32>
    %add3A_532 = arith.addi %mul3A_531, %get3A_524 : vector<16xi32>
    %swap3A_533 = arith.constant 48 : index
    %swap3A_534 = tpu.vector_load %arg7[%swap3A_533] {strides = array<i32>} : memref<64xi32, #tpu.memory_space<vmem>>, vector<16xi32>,
    tpu.vector_store %arg7[%swap3A_533], %add3A_532 {strides = array<i32>} : memref<64xi32, #tpu.memory_space<vmem>>, vector<16xi32>,
    %dma_start3A_535 = arith.constant 0 : i32
    %dma_start3A_536 = tpu.memref_slice %arg4[%dma_start3A_535] : memref<50331648xf32, #tpu.memory_space<hbm>> -> memref<50331648xf32, #tpu.memory_space<hbm>>
    tpu.enqueue_indirect_dma source(%arg8 : memref<64xf32, #tpu.memory_space<vmem>>) target(%dma_start3A_536 : memref<50331648xf32, #tpu.memory_space<hbm>>) offsets(%arg7 : memref<64xi32, #tpu.memory_space<vmem>>) semaphore(%arg9 : memref<!tpu.dma_semaphore, #tpu.memory_space<semaphore_mem>>)
    %dma_wait3A_537 = arith.constant 0 : i32
    %dma_wait3A_538 = tpu.memref_slice %arg4[%dma_wait3A_537] : memref<50331648xf32, #tpu.memory_space<hbm>> -> memref<50331648xf32, #tpu.memory_space<hbm>>
    tpu.wait_indirect_dma semaphore(%arg9 : memref<!tpu.dma_semaphore, #tpu.memory_space<semaphore_mem>>) src(%arg8 : memref<64xf32, #tpu.memory_space<vmem>>) dst(%dma_wait3A_538 : memref<50331648xf32, #tpu.memory_space<hbm>>)
    %add3A_539 = arith.constant 20480 : i32
    %add3A_540 = arith.addi %add3A_539, %mul3A_2 : i32
    "tpu.region"() ({
      %run_scoped3A = tpu.sem_alloc : memref<!tpu.dma_semaphore, #tpu.memory_space<semaphore_mem>>
      %dma_start3A_647 = tpu.memref_slice %arg2[%add3A_540] : memref<24576xi32, #tpu.memory_space<hbm>> -> memref<64xi32, #tpu.memory_space<hbm>>
      %dma_start3A_648 = tpu.memref_slice %arg2[%add3A_540] : memref<24576xi32, #tpu.memory_space<hbm>> -> memref<64xi32, #tpu.memory_space<hbm>>
      tpu.enqueue_dma source(%dma_start3A_648 : memref<64xi32, #tpu.memory_space<hbm>>) target(%arg6 : memref<64xi32, #tpu.memory_space<vmem>>) target_semaphore(%run_scoped3A : memref<!tpu.dma_semaphore, #tpu.memory_space<semaphore_mem>>)
      %dma_wait3A_649 = tpu.memref_slice %arg2[%add3A_540] : memref<24576xi32, #tpu.memory_space<hbm>> -> memref<64xi32, #tpu.memory_space<hbm>>
      %dma_wait3A_650 = tpu.memref_slice %arg2[%add3A_540] : memref<24576xi32, #tpu.memory_space<hbm>> -> memref<64xi32, #tpu.memory_space<hbm>>
      tpu.wait_dma2 semaphore(%run_scoped3A : memref<!tpu.dma_semaphore, #tpu.memory_space<semaphore_mem>>) src(%dma_wait3A_650 : memref<64xi32, #tpu.memory_space<hbm>>) dst(%arg6 : memref<64xi32, #tpu.memory_space<vmem>>)
      tpu.yield
    }) : () -> ()
    %get3A_541 = arith.constant 0 : index
    %get3A_542 = tpu.vector_load %arg6[%get3A_541] {strides = array<i32>} : memref<64xi32, #tpu.memory_space<vmem>>, vector<16xi32>,
    %add3A_543 = arith.constant 0 : i32
    %add3A_544 = arith.addi %add3A_540, %add3A_543 : i32
    %add3A_545 = vector.broadcast %add3A_544 : i32 to vector<16xi32>
    %add3A_546 = arith.addi %add3A_545, %iota3A : vector<16xi32>
    %mul3A_547 = arith.constant 2048 : i32
    %mul3A_548 = vector.broadcast %mul3A_547 : i32 to vector<16xi32>
    %mul3A_549 = arith.muli %add3A_546, %mul3A_548 : vector<16xi32>
    %add3A_550 = arith.addi %mul3A_549, %get3A_542 : vector<16xi32>
    %swap3A_551 = arith.constant 0 : index
    %swap3A_552 = tpu.vector_load %arg7[%swap3A_551] {strides = array<i32>} : memref<64xi32, #tpu.memory_space<vmem>>, vector<16xi32>,
    tpu.vector_store %arg7[%swap3A_551], %add3A_550 {strides = array<i32>} : memref<64xi32, #tpu.memory_space<vmem>>, vector<16xi32>,
    %get3A_553 = arith.constant 16 : index
    %get3A_554 = tpu.vector_load %arg6[%get3A_553] {strides = array<i32>} : memref<64xi32, #tpu.memory_space<vmem>>, vector<16xi32>,
    %add3A_555 = arith.constant 16 : i32
    %add3A_556 = arith.addi %add3A_540, %add3A_555 : i32
    %add3A_557 = vector.broadcast %add3A_556 : i32 to vector<16xi32>
    %add3A_558 = arith.addi %add3A_557, %iota3A : vector<16xi32>
    %mul3A_559 = arith.constant 2048 : i32
    %mul3A_560 = vector.broadcast %mul3A_559 : i32 to vector<16xi32>
    %mul3A_561 = arith.muli %add3A_558, %mul3A_560 : vector<16xi32>
    %add3A_562 = arith.addi %mul3A_561, %get3A_554 : vector<16xi32>
    %swap3A_563 = arith.constant 16 : index
    %swap3A_564 = tpu.vector_load %arg7[%swap3A_563] {strides = array<i32>} : memref<64xi32, #tpu.memory_space<vmem>>, vector<16xi32>,
    tpu.vector_store %arg7[%swap3A_563], %add3A_562 {strides = array<i32>} : memref<64xi32, #tpu.memory_space<vmem>>, vector<16xi32>,
    %get3A_565 = arith.constant 32 : index
    %get3A_566 = tpu.vector_load %arg6[%get3A_565] {strides = array<i32>} : memref<64xi32, #tpu.memory_space<vmem>>, vector<16xi32>,
    %add3A_567 = arith.constant 32 : i32
    %add3A_568 = arith.addi %add3A_540, %add3A_567 : i32
    %add3A_569 = vector.broadcast %add3A_568 : i32 to vector<16xi32>
    %add3A_570 = arith.addi %add3A_569, %iota3A : vector<16xi32>
    %mul3A_571 = arith.constant 2048 : i32
    %mul3A_572 = vector.broadcast %mul3A_571 : i32 to vector<16xi32>
    %mul3A_573 = arith.muli %add3A_570, %mul3A_572 : vector<16xi32>
    %add3A_574 = arith.addi %mul3A_573, %get3A_566 : vector<16xi32>
    %swap3A_575 = arith.constant 32 : index
    %swap3A_576 = tpu.vector_load %arg7[%swap3A_575] {strides = array<i32>} : memref<64xi32, #tpu.memory_space<vmem>>, vector<16xi32>,
    tpu.vector_store %arg7[%swap3A_575], %add3A_574 {strides = array<i32>} : memref<64xi32, #tpu.memory_space<vmem>>, vector<16xi32>,
    %get3A_577 = arith.constant 48 : index
    %get3A_578 = tpu.vector_load %arg6[%get3A_577] {strides = array<i32>} : memref<64xi32, #tpu.memory_space<vmem>>, vector<16xi32>,
    %add3A_579 = arith.constant 48 : i32
    %add3A_580 = arith.addi %add3A_540, %add3A_579 : i32
    %add3A_581 = vector.broadcast %add3A_580 : i32 to vector<16xi32>
    %add3A_582 = arith.addi %add3A_581, %iota3A : vector<16xi32>
    %mul3A_583 = arith.constant 2048 : i32
    %mul3A_584 = vector.broadcast %mul3A_583 : i32 to vector<16xi32>
    %mul3A_585 = arith.muli %add3A_582, %mul3A_584 : vector<16xi32>
    %add3A_586 = arith.addi %mul3A_585, %get3A_578 : vector<16xi32>
    %swap3A_587 = arith.constant 48 : index
    %swap3A_588 = tpu.vector_load %arg7[%swap3A_587] {strides = array<i32>} : memref<64xi32, #tpu.memory_space<vmem>>, vector<16xi32>,
    tpu.vector_store %arg7[%swap3A_587], %add3A_586 {strides = array<i32>} : memref<64xi32, #tpu.memory_space<vmem>>, vector<16xi32>,
    %dma_start3A_589 = arith.constant 0 : i32
    %dma_start3A_590 = tpu.memref_slice %arg4[%dma_start3A_589] : memref<50331648xf32, #tpu.memory_space<hbm>> -> memref<50331648xf32, #tpu.memory_space<hbm>>
    tpu.enqueue_indirect_dma source(%arg8 : memref<64xf32, #tpu.memory_space<vmem>>) target(%dma_start3A_590 : memref<50331648xf32, #tpu.memory_space<hbm>>) offsets(%arg7 : memref<64xi32, #tpu.memory_space<vmem>>) semaphore(%arg9 : memref<!tpu.dma_semaphore, #tpu.memory_space<semaphore_mem>>)
    %dma_wait3A_591 = arith.constant 0 : i32
    %dma_wait3A_592 = tpu.memref_slice %arg4[%dma_wait3A_591] : memref<50331648xf32, #tpu.memory_space<hbm>> -> memref<50331648xf32, #tpu.memory_space<hbm>>
    tpu.wait_indirect_dma semaphore(%arg9 : memref<!tpu.dma_semaphore, #tpu.memory_space<semaphore_mem>>) src(%arg8 : memref<64xf32, #tpu.memory_space<vmem>>) dst(%dma_wait3A_592 : memref<50331648xf32, #tpu.memory_space<hbm>>)
    %add3A_593 = arith.constant 22528 : i32
    %add3A_594 = arith.addi %add3A_593, %mul3A_2 : i32
    "tpu.region"() ({
      %run_scoped3A = tpu.sem_alloc : memref<!tpu.dma_semaphore, #tpu.memory_space<semaphore_mem>>
      %dma_start3A_647 = tpu.memref_slice %arg2[%add3A_594] : memref<24576xi32, #tpu.memory_space<hbm>> -> memref<64xi32, #tpu.memory_space<hbm>>
      %dma_start3A_648 = tpu.memref_slice %arg2[%add3A_594] : memref<24576xi32, #tpu.memory_space<hbm>> -> memref<64xi32, #tpu.memory_space<hbm>>
      tpu.enqueue_dma source(%dma_start3A_648 : memref<64xi32, #tpu.memory_space<hbm>>) target(%arg6 : memref<64xi32, #tpu.memory_space<vmem>>) target_semaphore(%run_scoped3A : memref<!tpu.dma_semaphore, #tpu.memory_space<semaphore_mem>>)
      %dma_wait3A_649 = tpu.memref_slice %arg2[%add3A_594] : memref<24576xi32, #tpu.memory_space<hbm>> -> memref<64xi32, #tpu.memory_space<hbm>>
      %dma_wait3A_650 = tpu.memref_slice %arg2[%add3A_594] : memref<24576xi32, #tpu.memory_space<hbm>> -> memref<64xi32, #tpu.memory_space<hbm>>
      tpu.wait_dma2 semaphore(%run_scoped3A : memref<!tpu.dma_semaphore, #tpu.memory_space<semaphore_mem>>) src(%dma_wait3A_650 : memref<64xi32, #tpu.memory_space<hbm>>) dst(%arg6 : memref<64xi32, #tpu.memory_space<vmem>>)
      tpu.yield
    }) : () -> ()
    %get3A_595 = arith.constant 0 : index
    %get3A_596 = tpu.vector_load %arg6[%get3A_595] {strides = array<i32>} : memref<64xi32, #tpu.memory_space<vmem>>, vector<16xi32>,
    %add3A_597 = arith.constant 0 : i32
    %add3A_598 = arith.addi %add3A_594, %add3A_597 : i32
    %add3A_599 = vector.broadcast %add3A_598 : i32 to vector<16xi32>
    %add3A_600 = arith.addi %add3A_599, %iota3A : vector<16xi32>
    %mul3A_601 = arith.constant 2048 : i32
    %mul3A_602 = vector.broadcast %mul3A_601 : i32 to vector<16xi32>
    %mul3A_603 = arith.muli %add3A_600, %mul3A_602 : vector<16xi32>
    %add3A_604 = arith.addi %mul3A_603, %get3A_596 : vector<16xi32>
    %swap3A_605 = arith.constant 0 : index
    %swap3A_606 = tpu.vector_load %arg7[%swap3A_605] {strides = array<i32>} : memref<64xi32, #tpu.memory_space<vmem>>, vector<16xi32>,
    tpu.vector_store %arg7[%swap3A_605], %add3A_604 {strides = array<i32>} : memref<64xi32, #tpu.memory_space<vmem>>, vector<16xi32>,
    %get3A_607 = arith.constant 16 : index
    %get3A_608 = tpu.vector_load %arg6[%get3A_607] {strides = array<i32>} : memref<64xi32, #tpu.memory_space<vmem>>, vector<16xi32>,
    %add3A_609 = arith.constant 16 : i32
    %add3A_610 = arith.addi %add3A_594, %add3A_609 : i32
    %add3A_611 = vector.broadcast %add3A_610 : i32 to vector<16xi32>
    %add3A_612 = arith.addi %add3A_611, %iota3A : vector<16xi32>
    %mul3A_613 = arith.constant 2048 : i32
    %mul3A_614 = vector.broadcast %mul3A_613 : i32 to vector<16xi32>
    %mul3A_615 = arith.muli %add3A_612, %mul3A_614 : vector<16xi32>
    %add3A_616 = arith.addi %mul3A_615, %get3A_608 : vector<16xi32>
    %swap3A_617 = arith.constant 16 : index
    %swap3A_618 = tpu.vector_load %arg7[%swap3A_617] {strides = array<i32>} : memref<64xi32, #tpu.memory_space<vmem>>, vector<16xi32>,
    tpu.vector_store %arg7[%swap3A_617], %add3A_616 {strides = array<i32>} : memref<64xi32, #tpu.memory_space<vmem>>, vector<16xi32>,
    %get3A_619 = arith.constant 32 : index
    %get3A_620 = tpu.vector_load %arg6[%get3A_619] {strides = array<i32>} : memref<64xi32, #tpu.memory_space<vmem>>, vector<16xi32>,
    %add3A_621 = arith.constant 32 : i32
    %add3A_622 = arith.addi %add3A_594, %add3A_621 : i32
    %add3A_623 = vector.broadcast %add3A_622 : i32 to vector<16xi32>
    %add3A_624 = arith.addi %add3A_623, %iota3A : vector<16xi32>
    %mul3A_625 = arith.constant 2048 : i32
    %mul3A_626 = vector.broadcast %mul3A_625 : i32 to vector<16xi32>
    %mul3A_627 = arith.muli %add3A_624, %mul3A_626 : vector<16xi32>
    %add3A_628 = arith.addi %mul3A_627, %get3A_620 : vector<16xi32>
    %swap3A_629 = arith.constant 32 : index
    %swap3A_630 = tpu.vector_load %arg7[%swap3A_629] {strides = array<i32>} : memref<64xi32, #tpu.memory_space<vmem>>, vector<16xi32>,
    tpu.vector_store %arg7[%swap3A_629], %add3A_628 {strides = array<i32>} : memref<64xi32, #tpu.memory_space<vmem>>, vector<16xi32>,
    %get3A_631 = arith.constant 48 : index
    %get3A_632 = tpu.vector_load %arg6[%get3A_631] {strides = array<i32>} : memref<64xi32, #tpu.memory_space<vmem>>, vector<16xi32>,
    %add3A_633 = arith.constant 48 : i32
    %add3A_634 = arith.addi %add3A_594, %add3A_633 : i32
    %add3A_635 = vector.broadcast %add3A_634 : i32 to vector<16xi32>
    %add3A_636 = arith.addi %add3A_635, %iota3A : vector<16xi32>
    %mul3A_637 = arith.constant 2048 : i32
    %mul3A_638 = vector.broadcast %mul3A_637 : i32 to vector<16xi32>
    %mul3A_639 = arith.muli %add3A_636, %mul3A_638 : vector<16xi32>
    %add3A_640 = arith.addi %mul3A_639, %get3A_632 : vector<16xi32>
    %swap3A_641 = arith.constant 48 : index
    %swap3A_642 = tpu.vector_load %arg7[%swap3A_641] {strides = array<i32>} : memref<64xi32, #tpu.memory_space<vmem>>, vector<16xi32>,
    tpu.vector_store %arg7[%swap3A_641], %add3A_640 {strides = array<i32>} : memref<64xi32, #tpu.memory_space<vmem>>, vector<16xi32>,
    %dma_start3A_643 = arith.constant 0 : i32
    %dma_start3A_644 = tpu.memref_slice %arg4[%dma_start3A_643] : memref<50331648xf32, #tpu.memory_space<hbm>> -> memref<50331648xf32, #tpu.memory_space<hbm>>
    tpu.enqueue_indirect_dma source(%arg8 : memref<64xf32, #tpu.memory_space<vmem>>) target(%dma_start3A_644 : memref<50331648xf32, #tpu.memory_space<hbm>>) offsets(%arg7 : memref<64xi32, #tpu.memory_space<vmem>>) semaphore(%arg9 : memref<!tpu.dma_semaphore, #tpu.memory_space<semaphore_mem>>)
    %dma_wait3A_645 = arith.constant 0 : i32
    %dma_wait3A_646 = tpu.memref_slice %arg4[%dma_wait3A_645] : memref<50331648xf32, #tpu.memory_space<hbm>> -> memref<50331648xf32, #tpu.memory_space<hbm>>
    tpu.wait_indirect_dma semaphore(%arg9 : memref<!tpu.dma_semaphore, #tpu.memory_space<semaphore_mem>>) src(%arg8 : memref<64xf32, #tpu.memory_space<vmem>>) dst(%dma_wait3A_646 : memref<50331648xf32, #tpu.memory_space<hbm>>)
    return
  }
}

module attributes {stable_mosaic.version = 14 : i64} {
  func.func @_phase1_kernel(%arg0: i32, %arg1: memref<1x2048x2048xf32, #tpu.memory_space<vmem>>, %arg2: memref<2048x2048xf32, #tpu.memory_space<vmem>>, %arg3: memref<1x2048xf32, #tpu.memory_space<vmem>>, %arg4: memref<1x2048xf32, #tpu.memory_space<vmem>>) attributes {dimension_semantics = [#tpu.dimension_semantics<arbitrary>], iteration_bounds = array<i64: 1>, scalar_prefetch = 0 : i64, scratch_operands = 0 : i64, tpu.core_type = #tpu.core_type<tc>, window_params = [{transform_indices = @transform_0, window_bounds = array<i64: 1, 2048, 2048>}, {pipeline_mode = #tpu.pipeline_mode<synchronous>, transform_indices = @transform_1, window_bounds = array<i64: 2048, 2048>}, {pipeline_mode = #tpu.pipeline_mode<synchronous>, transform_indices = @transform_2, window_bounds = array<i64: 1, 2048>}, {pipeline_mode = #tpu.pipeline_mode<synchronous>, transform_indices = @transform_3, window_bounds = array<i64: 1, 2048>}]} {
    %get3A = arith.constant 0 : index
    %get3A_0 = arith.constant 0 : index
    %get3A_1 = arith.constant 0 : index
    %get3A_2 = vector.load %arg1[%get3A, %get3A_0, %get3A_1] : memref<1x2048x2048xf32, #tpu.memory_space<vmem>>, vector<1x2048x2048xf32>
    %get3A_3 = vector.shape_cast %get3A_2 : vector<1x2048x2048xf32> to vector<2048x2048xf32>
    %reduce_max3A = arith.constant dense<0xFF800000> : vector<2048xf32>
    %reduce_max3A_4 = vector.multi_reduction <maximumf>, %get3A_3, %reduce_max3A [1] : vector<2048x2048xf32> to vector<2048xf32>
    %broadcast_in_dim3A = vector.shape_cast %reduce_max3A_4 : vector<2048xf32> to vector<1x2048xf32>
    %get3A_5 = arith.constant 0 : index
    %get3A_6 = arith.constant 0 : index
    %get3A_7 = vector.load %arg2[%get3A_5, %get3A_6] : memref<2048x2048xf32, #tpu.memory_space<vmem>>, vector<2048x2048xf32>
    %dot_general3A = arith.constant dense<0.000000e+00> : vector<1x2048xf32>
    %dot_general3A_8 = tpu.matmul %broadcast_in_dim3A, %get3A_7, %dot_general3A {dimension_numbers = #tpu.dot_dimension_numbers<[1], [1], [0], [0], [0, 0, 1, 0], [], []>, transpose_lhs_hint = false} : vector<1x2048xf32>, vector<2048x2048xf32>, vector<1x2048xf32> -> vector<1x2048xf32>
    %get3A_9 = arith.constant 0 : index
    %get3A_10 = arith.constant 0 : index
    %get3A_11 = vector.load %arg3[%get3A_9, %get3A_10] : memref<1x2048xf32, #tpu.memory_space<vmem>>, vector<1x2048xf32>
    %add3A = arith.addf %dot_general3A_8, %get3A_11 : vector<1x2048xf32>
    %mul3A = arith.constant 5.000000e-01 : f32
    %mul3A_12 = vector.broadcast %mul3A : f32 to vector<1x2048xf32>
    %mul3A_13 = arith.mulf %mul3A_12, %add3A : vector<1x2048xf32>
    %mul3A_14 = arith.constant 0.707106769 : f32
    %mul3A_15 = vector.broadcast %mul3A_14 : f32 to vector<1x2048xf32>
    %mul3A_16 = arith.mulf %add3A, %mul3A_15 : vector<1x2048xf32>
    %erf3A = math.erf %mul3A_16 : vector<1x2048xf32>
    %add3A_17 = arith.constant 1.000000e+00 : f32
    %add3A_18 = vector.broadcast %add3A_17 : f32 to vector<1x2048xf32>
    %add3A_19 = arith.addf %add3A_18, %erf3A : vector<1x2048xf32>
    %mul3A_20 = arith.mulf %mul3A_13, %add3A_19 : vector<1x2048xf32>
    %swap3A = arith.constant 0 : index
    %swap3A_21 = arith.constant 0 : index
    %swap3A_22 = vector.load %arg4[%swap3A, %swap3A_21] : memref<1x2048xf32, #tpu.memory_space<vmem>>, vector<1x2048xf32>
    tpu.vector_store %arg4[%swap3A, %swap3A_21], %mul3A_20 {strides = array<i32>} : memref<1x2048xf32, #tpu.memory_space<vmem>>, vector<1x2048xf32>,
    return
  }
  func.func @transform_0(%arg0: i32) -> (i32, i32, i32) {
    %c11_i32 = arith.constant 11 : i32
    %c0_i32 = arith.constant 0 : i32
    %c0_i32_0 = arith.constant 0 : i32
    %c0_i32_1 = arith.constant 0 : i32
    return %c11_i32, %c0_i32, %c0_i32_0 : i32, i32, i32
  }
  func.func @transform_1(%arg0: i32) -> (i32, i32) {
    %c0_i32 = arith.constant 0 : i32
    %c0_i32_0 = arith.constant 0 : i32
    %c0_i32_1 = arith.constant 0 : i32
    return %c0_i32, %c0_i32_0 : i32, i32
  }
  func.func @transform_2(%arg0: i32) -> (i32, i32) {
    %c0_i32 = arith.constant 0 : i32
    %c0_i32_0 = arith.constant 0 : i32
    %c0_i32_1 = arith.constant 0 : i32
    return %c0_i32, %c0_i32_0 : i32, i32
  }
  func.func @transform_3(%arg0: i32) -> (i32, i32) {
    %c0_i32 = arith.constant 0 : i32
    %c0_i32_0 = arith.constant 0 : i32
    %c0_i32_1 = arith.constant 0 : i32
    return %c0_i32, %c0_i32_0 : i32, i32
  }
}

module attributes {stable_mosaic.version = 14 : i64} {
  func.func @_phase2_kernel(%arg0: i32, %arg1: i32, %arg2: memref<1x256x2048xf32, #tpu.memory_space<vmem>>, %arg3: memref<1x256x2048xf32, #tpu.memory_space<vmem>>, %arg4: memref<256xi32, #tpu.memory_space<vmem>>) attributes {dimension_semantics = [#tpu.dimension_semantics<parallel>, #tpu.dimension_semantics<parallel>], iteration_bounds = array<i64: 12, 8>, scalar_prefetch = 0 : i64, scratch_operands = 0 : i64, tpu.core_type = #tpu.core_type<tc>, window_params = [{transform_indices = @transform_0, window_bounds = array<i64: 1, 256, 2048>}, {transform_indices = @transform_1, window_bounds = array<i64: 1, 256, 2048>}, {transform_indices = @transform_2, window_bounds = array<i64: 256>}]} {
    %get3A = arith.constant 0 : index
    %get3A_0 = arith.constant 0 : index
    %get3A_1 = arith.constant 0 : index
    %get3A_2 = vector.load %arg2[%get3A, %get3A_0, %get3A_1] : memref<1x256x2048xf32, #tpu.memory_space<vmem>>, vector<1x256x2048xf32>
    %get3A_3 = vector.shape_cast %get3A_2 : vector<1x256x2048xf32> to vector<256x2048xf32>
    %reduce_max3A = arith.constant dense<0xFF800000> : vector<256xf32>
    %reduce_max3A_4 = vector.multi_reduction <maximumf>, %get3A_3, %reduce_max3A [1] : vector<256x2048xf32> to vector<256xf32>
    %broadcast_in_dim3A = vector.shape_cast %reduce_max3A_4 : vector<256xf32> to vector<256x1xf32>
    %iota3A = tpu.iota {dimensions = array<i32: 1>} : vector<256x2048xi32>
    %eq3A = vector.broadcast %broadcast_in_dim3A : vector<256x1xf32> to vector<256x2048xf32>
    %eq3A_5 = arith.cmpf oeq, %get3A_3, %eq3A : vector<256x2048xf32>
    %jit3A = arith.constant 2048 : i32
    %broadcast_in_dim3A_6 = vector.broadcast %jit3A : i32 to vector<256x2048xi32>
    %select_n3A = arith.select %eq3A_5, %iota3A, %broadcast_in_dim3A_6 : vector<256x2048xi1>, vector<256x2048xi32>
    %reduce_min3A = arith.constant dense<2147483647> : vector<256xi32>
    %reduce_min3A_7 = vector.multi_reduction <minsi>, %select_n3A, %reduce_min3A [1] : vector<256x2048xi32> to vector<256xi32>
    %swap3A = arith.constant 0 : index
    %swap3A_8 = vector.load %arg4[%swap3A] : memref<256xi32, #tpu.memory_space<vmem>>, vector<256xi32>
    tpu.vector_store %arg4[%swap3A], %reduce_min3A_7 {strides = array<i32>} : memref<256xi32, #tpu.memory_space<vmem>>, vector<256xi32>,
    %swap3A_9 = arith.constant 0 : index
    %swap3A_10 = arith.constant 0 : index
    %swap3A_11 = arith.constant 0 : index
    %swap3A_12 = vector.load %arg3[%swap3A_9, %swap3A_10, %swap3A_11] : memref<1x256x2048xf32, #tpu.memory_space<vmem>>, vector<1x256x2048xf32>
    %swap3A_13 = vector.shape_cast %swap3A_12 : vector<1x256x2048xf32> to vector<256x2048xf32>
    %swap3A_14 = vector.shape_cast %get3A_3 : vector<256x2048xf32> to vector<1x256x2048xf32>
    tpu.vector_store %arg3[%swap3A_9, %swap3A_10, %swap3A_11], %swap3A_14 {strides = array<i32>} : memref<1x256x2048xf32, #tpu.memory_space<vmem>>, vector<1x256x2048xf32>,
    return
  }
  func.func @transform_0(%arg0: i32, %arg1: i32) -> (i32, i32, i32) {
    %c0_i32 = arith.constant 0 : i32
    %c0_i32_0 = arith.constant 0 : i32
    return %arg0, %arg1, %c0_i32 : i32, i32, i32
  }
  func.func @transform_1(%arg0: i32, %arg1: i32) -> (i32, i32, i32) {
    %c0_i32 = arith.constant 0 : i32
    %c0_i32_0 = arith.constant 0 : i32
    return %arg0, %arg1, %c0_i32 : i32, i32, i32
  }
  func.func @transform_2(%arg0: i32, %arg1: i32) -> i32 {
    %mul3A = arith.constant 8 : i32
    %mul3A_0 = arith.muli %arg0, %mul3A : i32
    %add3A = arith.addi %mul3A_0, %arg1 : i32
    %c0_i32 = arith.constant 0 : i32
    return %add3A : i32
  }
}

</mosaic_0001>

<sc_bundles>
// kernel: kernel.5.cloned.1.call-start
scs
__scs_entry_jumppad:
0x0: {  	(pc) =	sbr.rel $0x88, $3  }
0x1: {  	(tag) =	ssettag $0x0;
	lr =	simm.s32 $0x1  }
0x2: {  	[smem:$0x3F9E] =	sst lr;
	_ =	strace $0xD0000000  }
0x3: {  	_ = 	snop  }
0x4: {  	_ = 	snop  }
0x5: {  	_ = 	snop  }
0x6: {  	_ = 	snop  }
0x7: {  	_ = 	snop  }
__scs_overlays_trampoline_lowered:
0x8: {  	[smem:$0x3FAD] =	sst s0  }
0x9: {  	[smem:$0x3FAE] =	sst s1  }
0xa: {  	[smem:$0x3FAF] =	sst s2  }
0xb: {  	[smem:$0x3FB0] =	sst s3  }
0xc: {  	[smem:$0x3FB1] =	sst s4  }
0xd: {  	[smem:$0x3FB2] =	sst s5  }
0xe: {  	[smem:$0x3FB3] =	sst s6  }
0xf: {  	[smem:$0x3FB4] =	sst s7  }
0x10: {  	[smem:$0x3FB5] =	sst s8  }
0x11: {  	[smem:$0x3FB6] =	sst s9;
	s0 =	simm.s32 @!p0 $0x0  }
0x12: {  	s1 =	sld [smem:$0x3F9C];
	s0 =	simm.s32 @p0 $0x1  }
0x13: {  	[smem:$0x3FB7] =	sst s0;
	s0 =	simm.s32 @!p1 $0x0  }
0x14: {  	s2 =	sld [smem:$0x3F9B];
	s0 =	simm.s32 @p1 $0x1  }
0x15: {  	[smem:$0x3FB8] =	sst s0;
	s0 =	simm.s32 @!p2 $0x0  }
0x16: {  	s3 =	sld [smem:$0x3FDB];
	s0 =	simm.s32 @p2 $0x1  }
0x17: {  	s4 =	simm.s32 $0x1BF5;
	[smem:$0x3FBA] =	sst s0  }
0x18: {  	s0 =	sld [smem:$0x3F9D];
	_ =	swait.ge [sflag:s4], $0x0  }
0x19: {  	s7 =	sld [smem:$0x3F9E]  }
0x1a: {  	s8 =	sadd.s32 $0xFFFFE003, lr  }
0x1b: {  	s9 =	sadd.s32 $0xFFFFFEF7, lr;
	s5 =	simm.s32 $0xFFFFFFFF;
	p2 =	slt.u32 s8, $0xFFFFF086  }
0x1c: {  	p1 =	slt.u32 s9, $0xF7A;
	s5 =	simm.s32 @!p2 $0x0  }
0x1d: {  	s5 =	simm.s32 @p1 $0x1;
	p0 =	seq.s32 s7, s2  }
0x1e: {  	s7 =	smul.u32 @!p0 $0xF7A, s2;
	p2 =	seq.s32 @!p0 s5, $0x0  }
0x1f: {  	s9 =	smul.u32 $0xF7A, s1;
	s8 =	simm.s32 @!p0 $0x1BF5;
	p2 =	por !p2, p0  }
0x20: {  	[sflag:s8] =	ssyncset.s32 @!p0 $0xFFFFF086;
	s6 =	sadd.s32 @!p0 s3, s7;
	s7 =	simm.s32 @!p0 $0x108  }
0x21: {  	s3 =	sadd.s32 s3, s9;
	s6 =	sadd.s32 @!p0 $0x88, s6;
	s7 =	simm.s32 @p2 $0x1082  }
0x22: {  	[simem:s7], [sflag:s8] =	dma.local @!p0 [hbm:s6], $0xF7A  }
0x23: {  	s9 =	sor.u32 $0xD0000000, s2;
	s6 =	simm.s32 $0x108;
	_ =	swait.ge @!p0 [sflag:s8], $0x0  }
0x24: {  	s3 =	sadd.s32 $0x88, s3;
	s6 =	simm.s32 @!p1 $0x1082;
	[sflag:s4] =	ssyncset.s32 $0xFFFFF086  }
0x25: {  	[simem:s6], [sflag:s4] =	dma.local [hbm:s3], $0xF7A  }
0x26: {  	[smem:$0x3F9E] =	sst s1;
	(tag) =	ssettag s2;
	_ =	strace s9  }
0x27: {  	s1 =	sld [smem:$0x3FAE]  }
0x28: {  	s2 =	sld [smem:$0x3FAF]  }
0x29: {  	s4 =	sld [smem:$0x3FB1]  }
0x2a: {  	p0 =	seq.s32 s5, $0x0;
	s5 =	sld [smem:$0x3FB2]  }
0x2b: {  	s6 =	sld [smem:$0x3FB3]  }
0x2c: {  	s7 =	sld [smem:$0x3FB4]  }
0x2d: {  	s3 =	simm.s32 $0x108;
	s8 =	sld [smem:$0x3FB5]  }
0x2e: {  	s3 =	simm.s32 @!p0 $0x1082;
	s9 =	sld [smem:$0x3FB6]  }
0x2f: {  	lr =	sadd.s32 s0, s3;
	s0 =	sld [smem:$0x3FAD]  }
0x30: {  	s3 =	sld [smem:$0x3FB0]  }
0x31: {  	[smem:$0x3FB9] =	sst s10  }
0x32: {  	s10 =	sld [smem:$0x3FB7];
	_ =	sdelay $0x3  }
0x33: {  	p0 =	seq.s32 s10, $0x1;
	s10 =	sld [smem:$0x3FB9];
	_ =	sdelay $0x3  }
0x34: {  	[smem:$0x3FB9] =	sst s10  }
0x35: {  	s10 =	sld [smem:$0x3FB8];
	_ =	sdelay $0x3  }
0x36: {  	p1 =	seq.s32 s10, $0x1;
	s10 =	sld [smem:$0x3FB9];
	_ =	sdelay $0x3  }
0x37: {  	[smem:$0x3FB9] =	sst s10  }
0x38: {  	s10 =	sld [smem:$0x3FBA]  }
0x39: {  	_ = 	snop;
	(pc) =	sbr.ind lr, $3  }
0x3a: {  	_ = 	snop  }
0x3b: {  	_ = 	snop  }
0x3c: {  	p2 =	seq.s32 s10, $0x1;
	s10 =	sld [smem:$0x3FB9]  }
0x3d: {  	_ =	shalt  }
0x3e: {  	_ =	shalt  }
0x3f: {  	_ =	shalt  }
0x40: {  	_ =	shalt  }
0x41: {  	_ =	shalt  }
0x42: {  	_ =	shalt  }
0x43: {  	_ =	shalt  }
0x44: {  	_ =	shalt  }
0x45: {  	_ =	shalt  }
0x46: {  	_ =	shalt  }
0x47: {  	_ =	shalt  }
0x48: {  	_ =	shalt  }
0x49: {  	_ =	shalt  }
0x4a: {  	_ =	shalt  }
0x4b: {  	_ =	shalt  }
0x4c: {  	_ =	shalt  }
0x4d: {  	_ =	shalt  }
0x4e: {  	_ =	shalt  }
0x4f: {  	_ =	shalt  }
0x50: {  	_ =	shalt  }
0x51: {  	_ =	shalt  }
0x52: {  	_ =	shalt  }
0x53: {  	_ =	shalt  }
0x54: {  	_ =	shalt  }
0x55: {  	_ =	shalt  }
0x56: {  	_ =	shalt  }
0x57: {  	_ =	shalt  }
0x58: {  	_ =	shalt  }
0x59: {  	_ =	shalt  }
0x5a: {  	_ =	shalt  }
0x5b: {  	_ =	shalt  }
0x5c: {  	_ =	shalt  }
0x5d: {  	_ =	shalt  }
0x5e: {  	_ =	shalt  }
0x5f: {  	_ =	shalt  }
0x60: {  	_ =	shalt  }
0x61: {  	_ =	shalt  }
0x62: {  	_ =	shalt  }
0x63: {  	_ =	shalt  }
0x64: {  	_ =	shalt  }
0x65: {  	_ =	shalt  }
0x66: {  	_ =	shalt  }
0x67: {  	_ =	shalt  }
0x68: {  	_ =	shalt  }
0x69: {  	_ =	shalt  }
0x6a: {  	_ =	shalt  }
0x6b: {  	_ =	shalt  }
0x6c: {  	_ =	shalt  }
0x6d: {  	_ =	shalt  }
0x6e: {  	_ =	shalt  }
0x6f: {  	_ =	shalt  }
0x70: {  	_ =	shalt  }
0x71: {  	_ =	shalt  }
0x72: {  	_ =	shalt  }
0x73: {  	_ =	shalt  }
0x74: {  	_ =	shalt  }
0x75: {  	_ =	shalt  }
0x76: {  	_ =	shalt  }
0x77: {  	_ =	shalt  }
0x78: {  	_ =	shalt  }
0x79: {  	_ =	shalt  }
0x7a: {  	_ =	shalt  }
0x7b: {  	_ =	shalt  }
0x7c: {  	_ =	shalt  }
0x7d: {  	_ =	shalt  }
0x7e: {  	_ =	shalt  }
0x7f: {  	_ =	shalt  }
0x80: {  	_ =	shalt  }
0x81: {  	_ =	shalt  }
0x82: {  	_ =	shalt  }
0x83: {  	_ =	shalt  }
0x84: {  	_ =	shalt  }
0x85: {  	_ =	shalt  }
0x86: {  	_ =	shalt  }
0x87: {  	_ =	shalt  }
.Lfunc_end0:
.L_simem_size_0:
called_computation.1_lowered:
.L_overlay_start_0:
0x88: {  	s2 =	sld [smem:$0x3FD9]  }
0x89: {  	s3 =	sld [smem:$0x3FFE];
	_ =	sdelay $0x1  }
0x8a: {  	s1 =	srdreg.scid  }
0x8b: {  	s0 =	sand.u32 $0x1, s1  }
0x8c: {  	s16 =	sshll.u32 s0, $0xA;
	s2 =	sadd.s32 s3, s2  }
0x8d: {  	s2 =	sadd.s32 s2, s16  }
0x8e: {  	[smem:$0x3FC5] =	sst s2  }
0x8f: {  	_ = 	snop  }
0x90: {  	(tm) =	ssettm $0x1  }
0x91: {  	s17 =	sld [smem:$0x3FFB];
	_ =	sdelay $0x3  }
0x92: {  	_ =	strace s17  }
0x93: {  	s2 =	sld [smem:$0x3FFC];
	_ =	sdelay $0x3  }
0x94: {  	_ =	strace s2  }
0x95: {  	s2 =	sld [smem:$0x3FFD];
	_ =	sdelay $0x3  }
0x96: {  	_ =	strace s2  }
0x97: {  	_ =	strace $0x8FFFFFFF  }
0x98: {  	s18 =	sld [smem:$0x3FDB];
	_ =	sdelay $0x1  }
0x99: {  	s19 =	simm.s32 $_scs_section_size  }
0x9a: {  	s4 =	simm.s32 $_size__tile_overlayer_lowered;
	s5 =	simm.s32 $_tile_overlayer_lowered  }
0x9b: {  	s22 =	simm.s32 $0x1BFF;
	s21 =	sshll.u32 s5, $0x1;
	s2 =	sadd.s32 s19, s18  }
0x9c: {  	s6 =	simm.s32 $0x0;
	s20 =	sshll.u32 s4, $0x1;
	s4 =	sadd.s32 s21, s2  }
0x9d: {  	[timem:s6], [sflag:s22] =	dma.local [hbm:s4], s20  }
0x9e: {  	_ =	swait.ge [sflag:s22], s20  }
0x9f: {  	s3 =	ssub.s32 $0x0, s20;
	[sflag:s22] =	ssyncset.done $0x0  }
0xa0: {  	[sflag:s22] =	ssyncadd.s32 s3;
	_ =	sdelay $0x1  }
0xa1: {  	s23 =	simm.s32 $0x1B8B  }
0xa2: {  	_ =	swait.ge [sflag:s23], $0x1  }
0xa3: {  	[sflag:s23] =	ssyncset.done $0x0  }
0xa4: {  	s25 =	simm.s32 $0x1B8E;
	s24 =	sld [smem:$0x3FFE];
	[sflag:s23] =	ssyncadd.s32 $0xFFFFFFFF  }
0xa5: {  	s26 =	simm.s32 $execute0_lowered;
	[smem:$0x3FD2] =	sst s25  }
0xa6: {  	s4 =	sshll.u32 s26, $0x1;
	_ =	strace $0x80000049;
	[dreg:$0x1] =	wrdreg $0xFFFFFFFF  }
0xa7: {  	s28 =	simm.s32 $_size_execute0_lowered;
	s2 =	sadd.s32 s2, s4;
	[dreg:$0x0] =	wrdreg $0x0  }
0xa8: {  	s4 =	sshll.u32 s28, $0x1;
	[dreg:$0x2] =	wrdreg s2  }
0xa9: {  	[dreg:$0x3] =	wrdreg s4  }
0xaa: {  	[dreg:$0x4] =	wrdreg $0xC0  }
0xab: {  	_ =	task [dreg:s6], $0x5FFFF  }
0xac: {  	[dreg:$0x1] =	wrdreg $0xFFFFFFFF  }
0xad: {  	[dreg:$0x0] =	wrdreg $0x60  }
0xae: {  	[dreg:$0x2] =	wrdreg s24  }
0xaf: {  	[dreg:$0x3] =	wrdreg $0x9  }
0xb0: {  	_ =	task.clear_ibuf [dreg:s6], $0x4FFFF;
	_ =	strace $0x90000049  }
0xb1: {  	s29 =	simm.s32 $0x9;
	_ =	strace $0x8000004B  }
0xb2: {  	_ =	swait.ge [sflag:s29], $0x1  }
0xb3: {  	[sflag:s29] =	ssyncadd.s32 $0xFFFFFFFF  }
0xb4: {  	_ =	strace $0x9000004B  }
0xb5: {  	_ =	sfence  }
0xb6: {  	s30 =	sld [smem:$0x0];
	_ =	sdelay $0x2  }
0xb7: {  	s31 =	sshll.u32 s1, $0xD;
	s1 =	sshrl.u32 s1, $0x2  }
0xb8: {  	s3 =	sand.u32 $0x4000, s31;
	s1 =	sadd.s32 s1, s30  }
0xb9: {  	s0 =	sor.u32 s3, s0;
	s1 =	sshll.u32 s1, $0x11  }
0xba: {  	s0 =	sor.u32 s1, s0  }
0xbb: {  	s0 =	sadd.s32 $0x8F2B, s0  }
0xbc: {  	[sflag:s0] =	ssyncadd.remote.s32 $0x1  }
0xbd: {  	_ =	sfence.sel $0xFFFF  }
0xbe: {  	[dreg:$0x0] =	wrdreg $0xFFFFFFFF;
	(pc) =	sbr.abs _section_cstart, $3  }
0xbf: {  	[dreg:$0x1] =	wrdreg $0xFFFFFFFF  }
0xc0: {  	_ =	task.clear_ibuf [dreg:s6], $0x2FFFF;
	_ =	strace $0x9FFFFFFF  }
0xc1: {  	(tm) =	ssettm $0x7FFFFFFF  }
tec
execute0_lowered:
.L_overlay_start_1:
0x0: {  	(tag) =	ssettag $0x1  }
0x1: {  	s1 =	srdreg.scid  }
0x2: {  	s0 =	stileid.u32;
	s21 =	sand.u32 $0x1, s1  }
0x3: {  	s2 =	sshll.u32 s0, $0x7;
	s4 =	sshll.u32 s21, $0x6  }
0x4: {  	s5 =	rddreg [dreg:$0x0];
	s3 =	simm.s32 $0x0;
	s22 =	sor.u32 s4, s2  }
0x5: {  	[smem:$0x7FF] =	sst s3;
	s6 =	sshrl.u32 s22, $0x3  }
0x6: {  	s1 =	rddreg [dreg:$0x1];
	_ =	strace $0x8000004A;
	s18 =	sadd.s32 s6, s5  }
0x7: {  	s2 =	simm.s32 $0x100;
	s4 =	simm.s32 $0x2;
	s9 =	sadd.s32 $0x601E00, s18  }
0x8: {  	[tilespmem:s2], [sflag:$0x2] =	stream.linear.gather [hbm4b:s9+s3], $0x40, $0x38;
	[tilespmem:$0x180] =	vst v63  }
0x9: {  	_ =	swait.ge [sflag:s4], $0x40  }
0xa: {  	s20 =	sadd.s32 $0x1200, s5;
	[sflag:s4] =	ssyncset.done $0x0  }
0xb: {  	s10 =	sadd.s32 s20, s6;
	[sflag:s4] =	ssyncadd.s32 $0xFFFFFFC0  }
0xc: {  	[tilespmem:s3], [sflag:$0x2] =	stream.linear.gather [hbm4b:s10+s3], $0x40, $0x38;
	[tilespmem:$0x180] =	vst v63  }
0xd: {  	_ =	swait.ge [sflag:s4], $0x40  }
0xe: {  	[sflag:s4] =	ssyncset.done $0x0  }
0xf: {  	[sflag:s4] =	ssyncadd.s32 $0xFFFFFFC0  }
0x10: {  	v2 =	vld [tilespmem:$0x30]  }
0x11: {  	v0 =	vlaneseq.u32;
	s19 =	sor.u32 $0x30, s22;
	v3 =	vld [tilespmem:$0x20]  }
0x12: {  	v44 =	vmul.u32 $0x800, v0;
	s7 =	sor.u32 $0x20, s22;
	v0 =	vmov s19;
	v4 =	vld [tilespmem:$0x0]  }
0x13: {  	v1 =	vmov s22;
	v5 =	vmov s7;
	v0 =	vshll.u32 v0, $0xB;
	v6 =	vld [tilespmem:$0x10]  }
0x14: {  	s23 =	sor.u32 $0x10, s22;
	v7 =	vshll.u32 v1, $0xB;
	v1 =	vshll.u32 v5, $0xB;
	v0 =	vor.u32 v44, v0  }
0x15: {  	v5 =	vmov s23;
	v1 =	vor.u32 v44, v1;
	v8 =	vadd.s32 v0, v2  }
0x16: {  	v5 =	vshll.u32 v5, $0xB;
	v2 =	vor.u32 v44, v7;
	v7 =	vadd.s32 v1, v3;
	[tilespmem:$0xB0] =	vst v8  }
0x17: {  	v3 =	vor.u32 v44, v5;
	v4 =	vadd.s32 v2, v4;
	[tilespmem:$0xA0] =	vst v7  }
0x18: {  	s8 =	simm.s32 $0x80;
	[tilespmem:$0x80] =	vst v4;
	v4 =	vadd.s32 v3, v6  }
0x19: {  	s5 =	sadd.s32 $0x1E00, s5;
	s7 =	simm.s32 $0x40;
	s6 =	simm.s32 $0x1;
	[tilespmem:$0x90] =	vst v4  }
0x1a: {  	[hbm4b:s5+s7] =	stream.indirect.scatter [tilespmem:s2], [sflag:$0x1], $0x1, s8, s7, $0xb8;
	[tilespmem:$0x180] =	vst v63  }
0x1b: {  	s12 =	sor.u32 $0x800, s22;
	_ =	swait.ge [sflag:s6], $0x40  }
0x1c: {  	s11 =	sshrl.u32 s12, $0x3;
	[sflag:s6] =	ssyncset.done $0x0  }
0x1d: {  	s11 =	sadd.s32 s20, s11;
	[sflag:s6] =	ssyncadd.s32 $0xFFFFFFC0  }
0x1e: {  	[tilespmem:s3], [sflag:$0x2] =	stream.linear.gather [hbm4b:s11+s3], $0x40, $0x38;
	[tilespmem:$0x180] =	vst v63  }
0x1f: {  	_ =	swait.ge [sflag:s4], $0x40  }
0x20: {  	[sflag:s4] =	ssyncset.done $0x0  }
0x21: {  	[sflag:s4] =	ssyncadd.s32 $0xFFFFFFC0  }
0x22: {  	v6 =	vld [tilespmem:$0x0]  }
0x23: {  	v7 =	vld [tilespmem:$0x10]  }
0x24: {  	s13 =	sor.u32 $0x810, s22;
	s24 =	sor.u32 $0x820, s22;
	v4 =	vmov s12;
	v8 =	vld [tilespmem:$0x20]  }
0x25: {  	s25 =	sor.u32 $0x830, s22;
	v10 =	vmov s24;
	v5 =	vmov s13;
	v4 =	vshll.u32 v4, $0xB;
	v9 =	vld [tilespmem:$0x30]  }
0x26: {  	v11 =	vmov s25;
	v5 =	vshll.u32 v5, $0xB;
	v4 =	vor.u32 v44, v4  }
0x27: {  	v10 =	vshll.u32 v10, $0xB;
	v5 =	vor.u32 v44, v5;
	v12 =	vadd.s32 v4, v6  }
0x28: {  	v6 =	vor.u32 v44, v10;
	v10 =	vshll.u32 v11, $0xB;
	v11 =	vadd.s32 v5, v7;
	[tilespmem:$0x80] =	vst v12  }
0x29: {  	v7 =	vor.u32 v44, v10;
	[tilespmem:$0x90] =	vst v11;
	v8 =	vadd.s32 v6, v8  }
0x2a: {  	[tilespmem:$0xA0] =	vst v8;
	v8 =	vadd.s32 v7, v9  }
0x2b: {  	[tilespmem:$0xB0] =	vst v8  }
0x2c: {  	[hbm4b:s5+s7] =	stream.indirect.scatter [tilespmem:s2], [sflag:$0x1], $0x1, s8, s7, $0xb8;
	[tilespmem:$0x180] =	vst v63  }
0x2d: {  	s26 =	sor.u32 $0x1000, s22;
	_ =	swait.ge [sflag:s6], $0x40  }
0x2e: {  	s28 =	sshrl.u32 s26, $0x3;
	[sflag:s6] =	ssyncset.done $0x0  }
0x2f: {  	s12 =	sadd.s32 s20, s28;
	[sflag:s6] =	ssyncadd.s32 $0xFFFFFFC0  }
0x30: {  	[tilespmem:s3], [sflag:$0x2] =	stream.linear.gather [hbm4b:s12+s3], $0x40, $0x38;
	[tilespmem:$0x180] =	vst v63  }
0x31: {  	_ =	swait.ge [sflag:s4], $0x40  }
0x32: {  	[sflag:s4] =	ssyncset.done $0x0  }
0x33: {  	[sflag:s4] =	ssyncadd.s32 $0xFFFFFFC0  }
0x34: {  	v10 =	vld [tilespmem:$0x20]  }
0x35: {  	s14 =	sor.u32 $0x1020, s22;
	v11 =	vld [tilespmem:$0x0]  }
0x36: {  	s29 =	sor.u32 $0x1030, s22;
	v9 =	vmov s14;
	v12 =	vld [tilespmem:$0x30]  }
0x37: {  	s30 =	sor.u32 $0x1010, s22;
	v14 =	vmov s29;
	v8 =	vmov s26;
	v9 =	vshll.u32 v9, $0xB;
	v13 =	vld [tilespmem:$0x10]  }
0x38: {  	v15 =	vmov s30;
	v8 =	vshll.u32 v8, $0xB;
	v9 =	vor.u32 v44, v9  }
0x39: {  	v14 =	vshll.u32 v14, $0xB;
	v8 =	vor.u32 v44, v8;
	v16 =	vadd.s32 v9, v10  }
0x3a: {  	v15 =	vshll.u32 v15, $0xB;
	v10 =	vor.u32 v44, v14;
	v14 =	vadd.s32 v8, v11;
	[tilespmem:$0xA0] =	vst v16  }
0x3b: {  	v11 =	vor.u32 v44, v15;
	[tilespmem:$0x80] =	vst v14;
	v12 =	vadd.s32 v10, v12  }
0x3c: {  	v13 =	vadd.s32 v11, v13;
	[tilespmem:$0xB0] =	vst v12  }
0x3d: {  	[tilespmem:$0x90] =	vst v13  }
0x3e: {  	[hbm4b:s5+s7] =	stream.indirect.scatter [tilespmem:s2], [sflag:$0x1], $0x1, s8, s7, $0xb8;
	[tilespmem:$0x180] =	vst v63  }
0x3f: {  	s31 =	sor.u32 $0x1800, s22;
	_ =	swait.ge [sflag:s6], $0x40  }
0x40: {  	s16 =	sshrl.u32 s31, $0x3;
	[sflag:s6] =	ssyncset.done $0x0  }
0x41: {  	s13 =	sadd.s32 s20, s16;
	[sflag:s6] =	ssyncadd.s32 $0xFFFFFFC0  }
0x42: {  	[tilespmem:s3], [sflag:$0x2] =	stream.linear.gather [hbm4b:s13+s3], $0x40, $0x38;
	[tilespmem:$0x180] =	vst v63  }
0x43: {  	_ =	swait.ge [sflag:s4], $0x40  }
0x44: {  	[sflag:s4] =	ssyncset.done $0x0  }
0x45: {  	[sflag:s4] =	ssyncadd.s32 $0xFFFFFFC0  }
0x46: {  	v14 =	vld [tilespmem:$0x0]  }
0x47: {  	v15 =	vld [tilespmem:$0x10]  }
0x48: {  	s15 =	sor.u32 $0x1810, s22;
	s17 =	sor.u32 $0x1820, s22;
	v12 =	vmov s31;
	v16 =	vld [tilespmem:$0x20]  }
0x49: {  	v18 =	vmov s17;
	v13 =	vmov s15;
	v12 =	vshll.u32 v12, $0xB;
	v17 =	vld [tilespmem:$0x30]  }
0x4a: {  	s18 =	sor.u32 $0x1830, s22;
	v18 =	vshll.u32 v18, $0xB;
	v13 =	vshll.u32 v13, $0xB;
	v12 =	vor.u32 v44, v12  }
0x4b: {  	v19 =	vmov s18;
	v13 =	vor.u32 v44, v13;
	v20 =	vadd.s32 v12, v14  }
0x4c: {  	v14 =	vor.u32 v44, v18;
	v18 =	vshll.u32 v19, $0xB;
	v19 =	vadd.s32 v13, v15;
	[tilespmem:$0x80] =	vst v20  }
0x4d: {  	v15 =	vor.u32 v44, v18;
	[tilespmem:$0x90] =	vst v19;
	v16 =	vadd.s32 v14, v16  }
0x4e: {  	[tilespmem:$0xA0] =	vst v16;
	v16 =	vadd.s32 v15, v17  }
0x4f: {  	[tilespmem:$0xB0] =	vst v16  }
0x50: {  	[hbm4b:s5+s7] =	stream.indirect.scatter [tilespmem:s2], [sflag:$0x1], $0x1, s8, s7, $0xb8;
	[tilespmem:$0x180] =	vst v63  }
0x51: {  	s19 =	sor.u32 $0x2000, s22;
	_ =	swait.ge [sflag:s6], $0x40  }
0x52: {  	s23 =	sshrl.u32 s19, $0x3;
	[sflag:s6] =	ssyncset.done $0x0  }
0x53: {  	s14 =	sadd.s32 s20, s23;
	[sflag:s6] =	ssyncadd.s32 $0xFFFFFFC0  }
0x54: {  	[tilespmem:s3], [sflag:$0x2] =	stream.linear.gather [hbm4b:s14+s3], $0x40, $0x38;
	[tilespmem:$0x180] =	vst v63  }
0x55: {  	_ =	swait.ge [sflag:s4], $0x40  }
0x56: {  	[sflag:s4] =	ssyncset.done $0x0  }
0x57: {  	[sflag:s4] =	ssyncadd.s32 $0xFFFFFFC0  }
0x58: {  	v18 =	vld [tilespmem:$0x0]  }
0x59: {  	v19 =	vld [tilespmem:$0x10]  }
0x5a: {  	s24 =	sor.u32 $0x2020, s22;
	s16 =	sor.u32 $0x2010, s22;
	v16 =	vmov s19;
	v20 =	vld [tilespmem:$0x20]  }
0x5b: {  	s25 =	sor.u32 $0x2030, s22;
	v22 =	vmov s24;
	v17 =	vmov s16;
	v16 =	vshll.u32 v16, $0xB;
	v21 =	vld [tilespmem:$0x30]  }
0x5c: {  	v23 =	vmov s25;
	v17 =	vshll.u32 v17, $0xB;
	v16 =	vor.u32 v44, v16  }
0x5d: {  	v22 =	vshll.u32 v22, $0xB;
	v17 =	vor.u32 v44, v17;
	v24 =	vadd.s32 v16, v18  }
0x5e: {  	v18 =	vor.u32 v44, v22;
	v22 =	vshll.u32 v23, $0xB;
	v23 =	vadd.s32 v17, v19;
	[tilespmem:$0x80] =	vst v24  }
0x5f: {  	v19 =	vor.u32 v44, v22;
	[tilespmem:$0x90] =	vst v23;
	v20 =	vadd.s32 v18, v20  }
0x60: {  	[tilespmem:$0xA0] =	vst v20;
	v20 =	vadd.s32 v19, v21  }
0x61: {  	[tilespmem:$0xB0] =	vst v20  }
0x62: {  	[hbm4b:s5+s7] =	stream.indirect.scatter [tilespmem:s2], [sflag:$0x1], $0x1, s8, s7, $0xb8;
	[tilespmem:$0x180] =	vst v63  }
0x63: {  	s26 =	sor.u32 $0x2800, s22;
	_ =	swait.ge [sflag:s6], $0x40  }
0x64: {  	s28 =	sshrl.u32 s26, $0x3;
	[sflag:s6] =	ssyncset.done $0x0  }
0x65: {  	s15 =	sadd.s32 s20, s28;
	[sflag:s6] =	ssyncadd.s32 $0xFFFFFFC0  }
0x66: {  	[tilespmem:s3], [sflag:$0x2] =	stream.linear.gather [hbm4b:s15+s3], $0x40, $0x38;
	[tilespmem:$0x180] =	vst v63  }
0x67: {  	_ =	swait.ge [sflag:s4], $0x40  }
0x68: {  	[sflag:s4] =	ssyncset.done $0x0  }
0x69: {  	[sflag:s4] =	ssyncadd.s32 $0xFFFFFFC0  }
0x6a: {  	v22 =	vld [tilespmem:$0x10]  }
0x6b: {  	s17 =	sor.u32 $0x2810, s22;
	v23 =	vld [tilespmem:$0x20]  }
0x6c: {  	s29 =	sor.u32 $0x2820, s22;
	v20 =	vmov s17;
	v24 =	vld [tilespmem:$0x0]  }
0x6d: {  	v25 =	vmov s29;
	v21 =	vmov s26;
	v20 =	vshll.u32 v20, $0xB;
	v26 =	vld [tilespmem:$0x30]  }
0x6e: {  	s30 =	sor.u32 $0x2830, s22;
	v27 =	vshll.u32 v21, $0xB;
	v21 =	vshll.u32 v25, $0xB;
	v20 =	vor.u32 v44, v20  }
0x6f: {  	v25 =	vmov s30;
	v21 =	vor.u32 v44, v21;
	v28 =	vadd.s32 v20, v22  }
0x70: {  	v25 =	vshll.u32 v25, $0xB;
	v22 =	vor.u32 v44, v27;
	v27 =	vadd.s32 v21, v23;
	[tilespmem:$0x90] =	vst v28  }
0x71: {  	v23 =	vor.u32 v44, v25;
	v24 =	vadd.s32 v22, v24;
	[tilespmem:$0xA0] =	vst v27  }
0x72: {  	v25 =	vadd.s32 v23, v26;
	[tilespmem:$0x80] =	vst v24  }
0x73: {  	[tilespmem:$0xB0] =	vst v25  }
0x74: {  	[hbm4b:s5+s7] =	stream.indirect.scatter [tilespmem:s2], [sflag:$0x1], $0x1, s8, s7, $0xb8;
	[tilespmem:$0x180] =	vst v63  }
0x75: {  	s31 =	sor.u32 $0x3000, s22;
	_ =	swait.ge [sflag:s6], $0x40  }
0x76: {  	s18 =	sshrl.u32 s31, $0x3;
	[sflag:s6] =	ssyncset.done $0x0  }
0x77: {  	s16 =	sadd.s32 s20, s18;
	[sflag:s6] =	ssyncadd.s32 $0xFFFFFFC0  }
0x78: {  	[tilespmem:s3], [sflag:$0x2] =	stream.linear.gather [hbm4b:s16+s3], $0x40, $0x38;
	[tilespmem:$0x180] =	vst v63  }
0x79: {  	_ =	swait.ge [sflag:s4], $0x40  }
0x7a: {  	[sflag:s4] =	ssyncset.done $0x0  }
0x7b: {  	[sflag:s4] =	ssyncadd.s32 $0xFFFFFFC0  }
0x7c: {  	v26 =	vld [tilespmem:$0x0]  }
0x7d: {  	v27 =	vld [tilespmem:$0x10]  }
0x7e: {  	s23 =	sor.u32 $0x3030, s22;
	s18 =	sor.u32 $0x3010, s22;
	v24 =	vmov s31;
	v28 =	vld [tilespmem:$0x20]  }
0x7f: {  	v31 =	vmov s23;
	s19 =	sor.u32 $0x3020, s22;
	v25 =	vmov s18;
	v24 =	vshll.u32 v24, $0xB;
	v29 =	vld [tilespmem:$0x30]  }
0x80: {  	v30 =	vmov s19;
	v25 =	vshll.u32 v25, $0xB;
	v24 =	vor.u32 v44, v24  }
0x81: {  	v30 =	vshll.u32 v30, $0xB;
	v25 =	vor.u32 v44, v25;
	v32 =	vadd.s32 v24, v26  }
0x82: {  	v26 =	vor.u32 v44, v30;
	v30 =	vshll.u32 v31, $0xB;
	v31 =	vadd.s32 v25, v27;
	[tilespmem:$0x80] =	vst v32  }
0x83: {  	v27 =	vor.u32 v44, v30;
	[tilespmem:$0x90] =	vst v31;
	v28 =	vadd.s32 v26, v28  }
0x84: {  	[tilespmem:$0xA0] =	vst v28;
	v28 =	vadd.s32 v27, v29  }
0x85: {  	[tilespmem:$0xB0] =	vst v28  }
0x86: {  	[hbm4b:s5+s7] =	stream.indirect.scatter [tilespmem:s2], [sflag:$0x1], $0x1, s8, s7, $0xb8;
	[tilespmem:$0x180] =	vst v63  }
0x87: {  	s24 =	sor.u32 $0x3800, s22;
	_ =	swait.ge [sflag:s6], $0x40  }
0x88: {  	s25 =	sshrl.u32 s24, $0x3;
	[sflag:s6] =	ssyncset.done $0x0  }
0x89: {  	s17 =	sadd.s32 s20, s25;
	[sflag:s6] =	ssyncadd.s32 $0xFFFFFFC0  }
0x8a: {  	[tilespmem:s3], [sflag:$0x2] =	stream.linear.gather [hbm4b:s17+s3], $0x40, $0x38;
	[tilespmem:$0x180] =	vst v63  }
0x8b: {  	_ =	swait.ge [sflag:s4], $0x40  }
0x8c: {  	[sflag:s4] =	ssyncset.done $0x0  }
0x8d: {  	[sflag:s4] =	ssyncadd.s32 $0xFFFFFFC0  }
0x8e: {  	v30 =	vld [tilespmem:$0x0]  }
0x8f: {  	v31 =	vld [tilespmem:$0x10]  }
0x90: {  	s28 =	sor.u32 $0x3830, s22;
	s19 =	sor.u32 $0x3810, s22;
	v28 =	vmov s24;
	v46 =	vld [tilespmem:$0x20]  }
0x91: {  	v35 =	vmov s28;
	s26 =	sor.u32 $0x3820, s22;
	v29 =	vmov s19;
	v28 =	vshll.u32 v28, $0xB;
	v33 =	vld [tilespmem:$0x30]  }
0x92: {  	v34 =	vmov s26;
	v29 =	vshll.u32 v29, $0xB;
	v28 =	vor.u32 v44, v28  }
0x93: {  	v34 =	vshll.u32 v34, $0xB;
	v29 =	vor.u32 v44, v29;
	v36 =	vadd.s32 v28, v30  }
0x94: {  	v47 =	vshll.u32 v35, $0xB;
	v30 =	vor.u32 v44, v34;
	v48 =	vadd.s32 v29, v31;
	[tilespmem:$0x80] =	vst v36  }
0x95: {  	v31 =	vor.u32 v44, v47;
	[tilespmem:$0x90] =	vst v48;
	v32 =	vadd.s32 v30, v46  }
0x96: {  	v49 =	vadd.s32 v31, v33;
	[tilespmem:$0xA0] =	vst v32  }
0x97: {  	[tilespmem:$0xB0] =	vst v49  }
0x98: {  	[hbm4b:s5+s7] =	stream.indirect.scatter [tilespmem:s2], [sflag:$0x1], $0x1, s8, s7, $0xb8;
	[tilespmem:$0x180] =	vst v63  }
0x99: {  	s29 =	sor.u32 $0x4000, s22;
	_ =	swait.ge [sflag:s6], $0x40  }
0x9a: {  	s30 =	sshrl.u32 s29, $0x3;
	[sflag:s6] =	ssyncset.done $0x0  }
0x9b: {  	s18 =	sadd.s32 s20, s30;
	[sflag:s6] =	ssyncadd.s32 $0xFFFFFFC0  }
0x9c: {  	[tilespmem:s3], [sflag:$0x2] =	stream.linear.gather [hbm4b:s18+s3], $0x40, $0x38;
	[tilespmem:$0x180] =	vst v63  }
0x9d: {  	_ =	swait.ge [sflag:s4], $0x40  }
0x9e: {  	[sflag:s4] =	ssyncset.done $0x0  }
0x9f: {  	[sflag:s4] =	ssyncadd.s32 $0xFFFFFFC0  }
0xa0: {  	v50 =	vld [tilespmem:$0x0]  }
0xa1: {  	s23 =	sor.u32 $0x4010, s22;
	v51 =	vld [tilespmem:$0x10]  }
0xa2: {  	v52 =	vmov s29;
	v53 =	vmov s23;
	s23 =	sor.u32 $0x4030, s22;
	v54 =	vld [tilespmem:$0x20]  }
0xa3: {  	v39 =	vmov s23;
	s31 =	sor.u32 $0x4020, s22;
	v32 =	vshll.u32 v52, $0xB;
	v37 =	vld [tilespmem:$0x30]  }
0xa4: {  	v38 =	vmov s31;
	v33 =	vshll.u32 v53, $0xB;
	v32 =	vor.u32 v44, v32  }
0xa5: {  	v38 =	vshll.u32 v38, $0xB;
	v33 =	vor.u32 v44, v33;
	v40 =	vadd.s32 v32, v50  }
0xa6: {  	v55 =	vshll.u32 v39, $0xB;
	v34 =	vor.u32 v44, v38;
	v56 =	vadd.s32 v33, v51;
	[tilespmem:$0x80] =	vst v40  }
0xa7: {  	v35 =	vor.u32 v44, v55;
	v36 =	vadd.s32 v34, v54;
	[tilespmem:$0x90] =	vst v56  }
0xa8: {  	v57 =	vadd.s32 v35, v37;
	[tilespmem:$0xA0] =	vst v36  }
0xa9: {  	s28 =	sor.u32 $0x4820, s22;
	s26 =	sor.u32 $0x4810, s22;
	s29 =	sor.u32 $0x5010, s22;
	[tilespmem:$0xB0] =	vst v57  }
0xaa: {  	[hbm4b:s5+s7] =	stream.indirect.scatter [tilespmem:s2], [sflag:$0x1], $0x1, s8, s7, $0xb8;
	[tilespmem:$0x180] =	vst v63  }
0xab: {  	s30 =	sor.u32 $0x5020, s22;
	s24 =	sor.u32 $0x4800, s22;
	_ =	swait.ge [sflag:s6], $0x40  }
0xac: {  	s31 =	sor.u32 $0x5000, s22;
	s25 =	sshrl.u32 s24, $0x3;
	[sflag:s6] =	ssyncset.done $0x0  }
0xad: {  	v60 =	vmov s28;
	v59 =	vmov s26;
	v58 =	vmov s24;
	s24 =	sor.u32 $0x4830, s22;
	s19 =	sadd.s32 s20, s25;
	[sflag:s6] =	ssyncadd.s32 $0xFFFFFFC0  }
0xae: {  	v62 =	vmov s29;
	v63 =	vmov s31;
	v61 =	vmov s24;
	[tilespmem:s3], [sflag:$0x2] =	stream.linear.gather [hbm4b:s19+s3], $0x40, $0x38;
	[tilespmem:$0x180] =	vst v63  }
0xaf: {  	v43 =	vmov s30;
	v42 =	vshll.u32 v63, $0xB;
	s25 =	sor.u32 $0x5030, s22;
	v39 =	vshll.u32 v61, $0xB;
	_ =	swait.ge [sflag:s4], $0x40  }
0xb0: {  	s21 =	ssub.s32 $0x2, s21;
	s26 =	sor.u32 $0x5810, s22;
	v45 =	vmov s25;
	v38 =	vshll.u32 v60, $0xB;
	v47 =	vshll.u32 v43, $0xB;
	[sflag:s4] =	ssyncset.done $0x0  }
0xb1: {  	s29 =	sor.u32 $0x5830, s22;
	s30 =	sshrl.u32 s21, $0x1;
	v41 =	vor.u32 v44, v38;
	v46 =	vor.u32 v44, v39;
	v48 =	vmov s26;
	[sflag:s4] =	ssyncadd.s32 $0xFFFFFFC0  }
0xb2: {  	s28 =	sor.u32 $0x5820, s22;
	s21 =	ssub.s32 s21, s30;
	v38 =	vshll.u32 v62, $0xB;
	v43 =	vor.u32 v44, v47;
	v52 =	vmov s29;
	v49 =	vld [tilespmem:$0x0]  }
0xb3: {  	s24 =	smax.u32 s21, $0x1;
	v62 =	vshll.u32 v52, $0xB;
	v37 =	vshll.u32 v59, $0xB;
	v50 =	vmov s28;
	v51 =	vld [tilespmem:$0x10]  }
0xb4: {  	p0 =	sne.s32 s24, $0x1;
	v59 =	vshll.u32 v48, $0xB;
	v36 =	vshll.u32 v58, $0xB;
	v37 =	vor.u32 v44, v37;
	v53 =	vld [tilespmem:$0x20]  }
.Ltmp0:
0xb5: {  	s22 =	sor.u32 $0x5800, s22;
	v40 =	vor.u32 v44, v42;
	v42 =	vor.u32 v44, v38;
	v56 =	vshll.u32 v45, $0xB;
	v48 =	vld [tilespmem:$0x30];
	(pc) =	sbr.rel @!p0 .LBB2_2-.Ltmp0, $4  }
0xb6: {  	v57 =	vmov s22;
	v38 =	vor.u32 v44, v59;
	v36 =	vor.u32 v44, v36  }
0xb7: {  	v61 =	vshll.u32 v50, $0xB;
	v47 =	vor.u32 v44, v56;
	v60 =	vadd.s32 v36, v49  }
0xb8: {  	s31 =	sshrl.u32 s31, $0x3;
	s22 =	sshrl.u32 s22, $0x3;
	v58 =	vshll.u32 v57, $0xB;
	v45 =	vor.u32 v44, v61;
	v63 =	vadd.s32 v37, v51;
	[tilespmem:$0x80] =	vst v60  }
0xb9: {  	s21 =	sadd.s32 s20, s31;
	s20 =	sadd.s32 s20, s22;
	s22 =	sadd.s32 $0xFFFFFFFF, s24;
	v39 =	vor.u32 v44, v58;
	v44 =	vor.u32 v44, v62;
	v49 =	vadd.s32 v41, v53;
	[tilespmem:$0x90] =	vst v63  }
.LBB2_1:
0xba: {  	p0 =	sne.s32 s22, $0x1;
	s22 =	sadd.s32 $0xFFFFFFFF, s22;
	[tilespmem:$0xA0] =	vst v49;
	v48 =	vadd.s32 v46, v48  }
0xbb: {  	[tilespmem:$0xB0] =	vst v48  }
0xbc: {  	[hbm4b:s5+s7] =	stream.indirect.scatter [tilespmem:s2], [sflag:$0x1], $0x1, s8, s7, $0xb8;
	[tilespmem:$0x180] =	vst v63  }
0xbd: {  	_ =	swait.ge [sflag:s6], $0x40  }
0xbe: {  	[sflag:s6] =	ssyncset.done $0x0  }
0xbf: {  	[sflag:s6] =	ssyncadd.s32 $0xFFFFFFC0  }
0xc0: {  	[tilespmem:s3], [sflag:$0x2] =	stream.linear.gather [hbm4b:s21+s3], $0x40, $0x38;
	[tilespmem:$0x180] =	vst v63  }
0xc1: {  	_ =	swait.ge [sflag:s4], $0x40  }
0xc2: {  	[sflag:s4] =	ssyncset.done $0x0  }
0xc3: {  	[sflag:s4] =	ssyncadd.s32 $0xFFFFFFC0  }
0xc4: {  	v48 =	vld [tilespmem:$0x0]  }
0xc5: {  	v49 =	vld [tilespmem:$0x10]  }
0xc6: {  	v50 =	vld [tilespmem:$0x30]  }
0xc7: {  	v51 =	vld [tilespmem:$0x20];
	_ =	sdelay $0x1  }
0xc8: {  	v48 =	vadd.s32 v40, v48  }
0xc9: {  	[tilespmem:$0x80] =	vst v48;
	v48 =	vadd.s32 v42, v49  }
0xca: {  	[tilespmem:$0x90] =	vst v48;
	v48 =	vadd.s32 v47, v50  }
0xcb: {  	v49 =	vadd.s32 v43, v51;
	[tilespmem:$0xB0] =	vst v48  }
0xcc: {  	[tilespmem:$0xA0] =	vst v49  }
0xcd: {  	[hbm4b:s5+s7] =	stream.indirect.scatter [tilespmem:s2], [sflag:$0x1], $0x1, s8, s7, $0xb8;
	[tilespmem:$0x180] =	vst v63  }
0xce: {  	_ =	swait.ge [sflag:s6], $0x40  }
0xcf: {  	[sflag:s6] =	ssyncset.done $0x0  }
0xd0: {  	[sflag:s6] =	ssyncadd.s32 $0xFFFFFFC0  }
0xd1: {  	[tilespmem:s3], [sflag:$0x2] =	stream.linear.gather [hbm4b:s20+s3], $0x40, $0x38;
	[tilespmem:$0x180] =	vst v63  }
0xd2: {  	_ =	swait.ge [sflag:s4], $0x40  }
0xd3: {  	[sflag:s4] =	ssyncset.done $0x0  }
0xd4: {  	[sflag:s4] =	ssyncadd.s32 $0xFFFFFFC0  }
0xd5: {  	v48 =	vld [tilespmem:$0x0]  }
0xd6: {  	v49 =	vld [tilespmem:$0x10]  }
0xd7: {  	v50 =	vld [tilespmem:$0x20]  }
0xd8: {  	v51 =	vld [tilespmem:$0x30];
	_ =	sdelay $0x1  }
0xd9: {  	v48 =	vadd.s32 v39, v48  }
0xda: {  	[tilespmem:$0x80] =	vst v48;
	v48 =	vadd.s32 v38, v49  }
0xdb: {  	[tilespmem:$0x90] =	vst v48;
	v48 =	vadd.s32 v45, v50  }
0xdc: {  	[tilespmem:$0xA0] =	vst v48;
	v48 =	vadd.s32 v44, v51  }
0xdd: {  	[tilespmem:$0xB0] =	vst v48  }
0xde: {  	[hbm4b:s5+s7] =	stream.indirect.scatter [tilespmem:s2], [sflag:$0x1], $0x1, s8, s7, $0xb8;
	[tilespmem:$0x180] =	vst v63  }
0xdf: {  	_ =	swait.ge [sflag:s6], $0x40  }
0xe0: {  	[sflag:s6] =	ssyncset.done $0x0  }
0xe1: {  	[sflag:s6] =	ssyncadd.s32 $0xFFFFFFC0  }
0xe2: {  	[tilespmem:s2], [sflag:$0x2] =	stream.linear.gather [hbm4b:s9+s3], $0x40, $0x38;
	[tilespmem:$0x180] =	vst v63  }
0xe3: {  	_ =	swait.ge [sflag:s4], $0x40  }
0xe4: {  	[sflag:s4] =	ssyncset.done $0x0  }
0xe5: {  	[sflag:s4] =	ssyncadd.s32 $0xFFFFFFC0  }
0xe6: {  	[tilespmem:s3], [sflag:$0x2] =	stream.linear.gather [hbm4b:s10+s3], $0x40, $0x38;
	[tilespmem:$0x180] =	vst v63  }
0xe7: {  	_ =	swait.ge [sflag:s4], $0x40  }
0xe8: {  	[sflag:s4] =	ssyncset.done $0x0  }
0xe9: {  	[sflag:s4] =	ssyncadd.s32 $0xFFFFFFC0  }
0xea: {  	v48 =	vld [tilespmem:$0x30]  }
0xeb: {  	v49 =	vld [tilespmem:$0x20]  }
0xec: {  	v50 =	vld [tilespmem:$0x0]  }
0xed: {  	v51 =	vld [tilespmem:$0x10];
	_ =	sdelay $0x1  }
0xee: {  	v48 =	vadd.s32 v0, v48  }
0xef: {  	v49 =	vadd.s32 v1, v49;
	[tilespmem:$0xB0] =	vst v48  }
0xf0: {  	v48 =	vadd.s32 v2, v50;
	[tilespmem:$0xA0] =	vst v49  }
0xf1: {  	[tilespmem:$0x80] =	vst v48;
	v48 =	vadd.s32 v3, v51  }
0xf2: {  	[tilespmem:$0x90] =	vst v48  }
0xf3: {  	[hbm4b:s5+s7] =	stream.indirect.scatter [tilespmem:s2], [sflag:$0x1], $0x1, s8, s7, $0xb8;
	[tilespmem:$0x180] =	vst v63  }
0xf4: {  	_ =	swait.ge [sflag:s6], $0x40  }
0xf5: {  	[sflag:s6] =	ssyncset.done $0x0  }
0xf6: {  	[sflag:s6] =	ssyncadd.s32 $0xFFFFFFC0  }
0xf7: {  	[tilespmem:s3], [sflag:$0x2] =	stream.linear.gather [hbm4b:s11+s3], $0x40, $0x38;
	[tilespmem:$0x180] =	vst v63  }
0xf8: {  	_ =	swait.ge [sflag:s4], $0x40  }
0xf9: {  	[sflag:s4] =	ssyncset.done $0x0  }
0xfa: {  	[sflag:s4] =	ssyncadd.s32 $0xFFFFFFC0  }
0xfb: {  	v48 =	vld [tilespmem:$0x0]  }
0xfc: {  	v49 =	vld [tilespmem:$0x10]  }
0xfd: {  	v50 =	vld [tilespmem:$0x20]  }
0xfe: {  	v51 =	vld [tilespmem:$0x30];
	_ =	sdelay $0x1  }
0xff: {  	v48 =	vadd.s32 v4, v48  }
0x100: {  	[tilespmem:$0x80] =	vst v48;
	v48 =	vadd.s32 v5, v49  }
0x101: {  	[tilespmem:$0x90] =	vst v48;
	v48 =	vadd.s32 v6, v50  }
0x102: {  	[tilespmem:$0xA0] =	vst v48;
	v48 =	vadd.s32 v7, v51  }
0x103: {  	[tilespmem:$0xB0] =	vst v48  }
0x104: {  	[hbm4b:s5+s7] =	stream.indirect.scatter [tilespmem:s2], [sflag:$0x1], $0x1, s8, s7, $0xb8;
	[tilespmem:$0x180] =	vst v63  }
0x105: {  	_ =	swait.ge [sflag:s6], $0x40  }
0x106: {  	[sflag:s6] =	ssyncset.done $0x0  }
0x107: {  	[sflag:s6] =	ssyncadd.s32 $0xFFFFFFC0  }
0x108: {  	[tilespmem:s3], [sflag:$0x2] =	stream.linear.gather [hbm4b:s12+s3], $0x40, $0x38;
	[tilespmem:$0x180] =	vst v63  }
0x109: {  	_ =	swait.ge [sflag:s4], $0x40  }
0x10a: {  	[sflag:s4] =	ssyncset.done $0x0  }
0x10b: {  	[sflag:s4] =	ssyncadd.s32 $0xFFFFFFC0  }
0x10c: {  	v48 =	vld [tilespmem:$0x20]  }
0x10d: {  	v49 =	vld [tilespmem:$0x0]  }
0x10e: {  	v50 =	vld [tilespmem:$0x30]  }
0x10f: {  	v51 =	vld [tilespmem:$0x10];
	_ =	sdelay $0x1  }
0x110: {  	v48 =	vadd.s32 v9, v48  }
0x111: {  	v49 =	vadd.s32 v8, v49;
	[tilespmem:$0xA0] =	vst v48  }
0x112: {  	[tilespmem:$0x80] =	vst v49;
	v48 =	vadd.s32 v10, v50  }
0x113: {  	v49 =	vadd.s32 v11, v51;
	[tilespmem:$0xB0] =	vst v48  }
0x114: {  	[tilespmem:$0x90] =	vst v49  }
0x115: {  	[hbm4b:s5+s7] =	stream.indirect.scatter [tilespmem:s2], [sflag:$0x1], $0x1, s8, s7, $0xb8;
	[tilespmem:$0x180] =	vst v63  }
0x116: {  	_ =	swait.ge [sflag:s6], $0x40  }
0x117: {  	[sflag:s6] =	ssyncset.done $0x0  }
0x118: {  	[sflag:s6] =	ssyncadd.s32 $0xFFFFFFC0  }
0x119: {  	[tilespmem:s3], [sflag:$0x2] =	stream.linear.gather [hbm4b:s13+s3], $0x40, $0x38;
	[tilespmem:$0x180] =	vst v63  }
0x11a: {  	_ =	swait.ge [sflag:s4], $0x40  }
0x11b: {  	[sflag:s4] =	ssyncset.done $0x0  }
0x11c: {  	[sflag:s4] =	ssyncadd.s32 $0xFFFFFFC0  }
0x11d: {  	v48 =	vld [tilespmem:$0x0]  }
0x11e: {  	v49 =	vld [tilespmem:$0x10]  }
0x11f: {  	v50 =	vld [tilespmem:$0x20];
	_ =	sdelay $0x1  }
0x120: {  	v51 =	vld [tilespmem:$0x30]  }
0x121: {  	v48 =	vadd.s32 v12, v48  }
0x122: {  	[tilespmem:$0x80] =	vst v48;
	v48 =	vadd.s32 v13, v49  }
0x123: {  	[tilespmem:$0x90] =	vst v48;
	v48 =	vadd.s32 v14, v50  }
0x124: {  	[tilespmem:$0xA0] =	vst v48  }
0x125: {  	v48 =	vadd.s32 v15, v51  }
0x126: {  	[tilespmem:$0xB0] =	vst v48  }
0x127: {  	[hbm4b:s5+s7] =	stream.indirect.scatter [tilespmem:s2], [sflag:$0x1], $0x1, s8, s7, $0xb8;
	[tilespmem:$0x180] =	vst v63  }
0x128: {  	_ =	swait.ge [sflag:s6], $0x40  }
0x129: {  	[sflag:s6] =	ssyncset.done $0x0  }
0x12a: {  	[sflag:s6] =	ssyncadd.s32 $0xFFFFFFC0  }
0x12b: {  	[tilespmem:s3], [sflag:$0x2] =	stream.linear.gather [hbm4b:s14+s3], $0x40, $0x38;
	[tilespmem:$0x180] =	vst v63  }
0x12c: {  	_ =	swait.ge [sflag:s4], $0x40  }
0x12d: {  	[sflag:s4] =	ssyncset.done $0x0  }
0x12e: {  	[sflag:s4] =	ssyncadd.s32 $0xFFFFFFC0  }
0x12f: {  	v48 =	vld [tilespmem:$0x0]  }
0x130: {  	v49 =	vld [tilespmem:$0x10]  }
0x131: {  	v50 =	vld [tilespmem:$0x20]  }
0x132: {  	v51 =	vld [tilespmem:$0x30];
	_ =	sdelay $0x1  }
0x133: {  	v48 =	vadd.s32 v16, v48  }
0x134: {  	[tilespmem:$0x80] =	vst v48;
	v48 =	vadd.s32 v17, v49  }
0x135: {  	[tilespmem:$0x90] =	vst v48;
	v48 =	vadd.s32 v18, v50  }
0x136: {  	[tilespmem:$0xA0] =	vst v48;
	v48 =	vadd.s32 v19, v51  }
0x137: {  	[tilespmem:$0xB0] =	vst v48  }
0x138: {  	[hbm4b:s5+s7] =	stream.indirect.scatter [tilespmem:s2], [sflag:$0x1], $0x1, s8, s7, $0xb8;
	[tilespmem:$0x180] =	vst v63  }
0x139: {  	_ =	swait.ge [sflag:s6], $0x40  }
0x13a: {  	[sflag:s6] =	ssyncset.done $0x0  }
0x13b: {  	[sflag:s6] =	ssyncadd.s32 $0xFFFFFFC0  }
0x13c: {  	[tilespmem:s3], [sflag:$0x2] =	stream.linear.gather [hbm4b:s15+s3], $0x40, $0x38;
	[tilespmem:$0x180] =	vst v63  }
0x13d: {  	_ =	swait.ge [sflag:s4], $0x40  }
0x13e: {  	[sflag:s4] =	ssyncset.done $0x0  }
0x13f: {  	[sflag:s4] =	ssyncadd.s32 $0xFFFFFFC0  }
0x140: {  	v48 =	vld [tilespmem:$0x20]  }
0x141: {  	v49 =	vld [tilespmem:$0x10]  }
0x142: {  	v50 =	vld [tilespmem:$0x30]  }
0x143: {  	v51 =	vld [tilespmem:$0x0];
	_ =	sdelay $0x2  }
0x144: {  	v49 =	vadd.s32 v20, v49  }
0x145: {  	v48 =	vadd.s32 v21, v48;
	[tilespmem:$0x90] =	vst v49;
	v49 =	vadd.s32 v23, v50  }
0x146: {  	v50 =	vadd.s32 v22, v51;
	[tilespmem:$0xA0] =	vst v48  }
0x147: {  	[tilespmem:$0x80] =	vst v50;
	_ =	sdelay $0x1  }
0x148: {  	[tilespmem:$0xB0] =	vst v49  }
0x149: {  	[hbm4b:s5+s7] =	stream.indirect.scatter [tilespmem:s2], [sflag:$0x1], $0x1, s8, s7, $0xb8;
	[tilespmem:$0x180] =	vst v63  }
0x14a: {  	_ =	swait.ge [sflag:s6], $0x40  }
0x14b: {  	[sflag:s6] =	ssyncset.done $0x0  }
0x14c: {  	[sflag:s6] =	ssyncadd.s32 $0xFFFFFFC0  }
0x14d: {  	[tilespmem:s3], [sflag:$0x2] =	stream.linear.gather [hbm4b:s16+s3], $0x40, $0x38;
	[tilespmem:$0x180] =	vst v63  }
0x14e: {  	_ =	swait.ge [sflag:s4], $0x40  }
0x14f: {  	[sflag:s4] =	ssyncset.done $0x0  }
0x150: {  	[sflag:s4] =	ssyncadd.s32 $0xFFFFFFC0  }
0x151: {  	v48 =	vld [tilespmem:$0x0]  }
0x152: {  	v49 =	vld [tilespmem:$0x10]  }
0x153: {  	v50 =	vld [tilespmem:$0x20]  }
0x154: {  	v51 =	vld [tilespmem:$0x30];
	_ =	sdelay $0x1  }
0x155: {  	v48 =	vadd.s32 v24, v48  }
0x156: {  	[tilespmem:$0x80] =	vst v48;
	v48 =	vadd.s32 v25, v49  }
0x157: {  	[tilespmem:$0x90] =	vst v48;
	v48 =	vadd.s32 v26, v50  }
0x158: {  	[tilespmem:$0xA0] =	vst v48;
	v48 =	vadd.s32 v27, v51  }
0x159: {  	[tilespmem:$0xB0] =	vst v48  }
0x15a: {  	[hbm4b:s5+s7] =	stream.indirect.scatter [tilespmem:s2], [sflag:$0x1], $0x1, s8, s7, $0xb8;
	[tilespmem:$0x180] =	vst v63  }
0x15b: {  	_ =	swait.ge [sflag:s6], $0x40  }
0x15c: {  	[sflag:s6] =	ssyncset.done $0x0  }
0x15d: {  	[sflag:s6] =	ssyncadd.s32 $0xFFFFFFC0  }
0x15e: {  	[tilespmem:s3], [sflag:$0x2] =	stream.linear.gather [hbm4b:s17+s3], $0x40, $0x38;
	[tilespmem:$0x180] =	vst v63  }
0x15f: {  	_ =	swait.ge [sflag:s4], $0x40  }
0x160: {  	[sflag:s4] =	ssyncset.done $0x0  }
0x161: {  	[sflag:s4] =	ssyncadd.s32 $0xFFFFFFC0  }
0x162: {  	v48 =	vld [tilespmem:$0x0]  }
0x163: {  	v49 =	vld [tilespmem:$0x10]  }
0x164: {  	v50 =	vld [tilespmem:$0x20]  }
0x165: {  	v51 =	vld [tilespmem:$0x30];
	_ =	sdelay $0x1  }
0x166: {  	v48 =	vadd.s32 v28, v48  }
0x167: {  	[tilespmem:$0x80] =	vst v48;
	v48 =	vadd.s32 v29, v49  }
0x168: {  	[tilespmem:$0x90] =	vst v48;
	v48 =	vadd.s32 v30, v50  }
0x169: {  	[tilespmem:$0xA0] =	vst v48;
	v48 =	vadd.s32 v31, v51  }
0x16a: {  	[tilespmem:$0xB0] =	vst v48  }
0x16b: {  	[hbm4b:s5+s7] =	stream.indirect.scatter [tilespmem:s2], [sflag:$0x1], $0x1, s8, s7, $0xb8;
	[tilespmem:$0x180] =	vst v63  }
0x16c: {  	_ =	swait.ge [sflag:s6], $0x40  }
0x16d: {  	[sflag:s6] =	ssyncset.done $0x0  }
0x16e: {  	[sflag:s6] =	ssyncadd.s32 $0xFFFFFFC0  }
0x16f: {  	[tilespmem:s3], [sflag:$0x2] =	stream.linear.gather [hbm4b:s18+s3], $0x40, $0x38;
	[tilespmem:$0x180] =	vst v63  }
0x170: {  	_ =	swait.ge [sflag:s4], $0x40  }
0x171: {  	[sflag:s4] =	ssyncset.done $0x0  }
0x172: {  	[sflag:s4] =	ssyncadd.s32 $0xFFFFFFC0  }
0x173: {  	v48 =	vld [tilespmem:$0x0]  }
0x174: {  	v49 =	vld [tilespmem:$0x10]  }
0x175: {  	v50 =	vld [tilespmem:$0x20];
	_ =	sdelay $0x1  }
0x176: {  	v51 =	vld [tilespmem:$0x30]  }
0x177: {  	v48 =	vadd.s32 v32, v48  }
0x178: {  	[tilespmem:$0x80] =	vst v48;
	v48 =	vadd.s32 v33, v49  }
0x179: {  	[tilespmem:$0x90] =	vst v48;
	v48 =	vadd.s32 v34, v50  }
0x17a: {  	[tilespmem:$0xA0] =	vst v48  }
0x17b: {  	v48 =	vadd.s32 v35, v51  }
0x17c: {  	[tilespmem:$0xB0] =	vst v48  }
0x17d: {  	[hbm4b:s5+s7] =	stream.indirect.scatter [tilespmem:s2], [sflag:$0x1], $0x1, s8, s7, $0xb8;
	[tilespmem:$0x180] =	vst v63  }
0x17e: {  	_ =	swait.ge [sflag:s6], $0x40  }
0x17f: {  	[sflag:s6] =	ssyncset.done $0x0  }
0x180: {  	[sflag:s6] =	ssyncadd.s32 $0xFFFFFFC0  }
0x181: {  	[tilespmem:s3], [sflag:$0x2] =	stream.linear.gather [hbm4b:s19+s3], $0x40, $0x38;
	[tilespmem:$0x180] =	vst v63  }
0x182: {  	_ =	swait.ge [sflag:s4], $0x40  }
0x183: {  	[sflag:s4] =	ssyncset.done $0x0  }
0x184: {  	[sflag:s4] =	ssyncadd.s32 $0xFFFFFFC0  }
0x185: {  	v49 =	vld [tilespmem:$0x0]  }
0x186: {  	v50 =	vld [tilespmem:$0x10]  }
0x187: {  	v51 =	vld [tilespmem:$0x20]  }
.Ltmp1:
0x188: {  	v48 =	vld [tilespmem:$0x30];
	(pc) =	sbr.rel @p0 .LBB2_1-.Ltmp1, $4  }
0x189: {  	_ = 	snop  }
0x18a: {  	v49 =	vadd.s32 v36, v49  }
0x18b: {  	[tilespmem:$0x80] =	vst v49;
	v49 =	vadd.s32 v37, v50  }
0x18c: {  	[tilespmem:$0x90] =	vst v49;
	v49 =	vadd.s32 v41, v51  }
.LBB2_2:
0x18d: {  	[tilespmem:$0xA0] =	vst v49;
	v0 =	vadd.s32 v46, v48  }
0x18e: {  	[tilespmem:$0xB0] =	vst v0  }
0x18f: {  	[hbm4b:s5+s7] =	stream.indirect.scatter [tilespmem:s2], [sflag:$0x1], $0x1, s8, s7, $0xb8;
	[tilespmem:$0x180] =	vst v63  }
0x190: {  	_ =	swait.ge [sflag:s6], $0x40  }
0x191: {  	[sflag:s6] =	ssyncset.done $0x0  }
0x192: {  	[sflag:s6] =	ssyncadd.s32 $0xFFFFFFC0  }
0x193: {  	[tilespmem:s3], [sflag:$0x2] =	stream.linear.gather [hbm4b:s21+s3], $0x40, $0x38;
	[tilespmem:$0x180] =	vst v63  }
0x194: {  	_ =	swait.ge [sflag:s4], $0x40  }
0x195: {  	[sflag:s4] =	ssyncset.done $0x0  }
0x196: {  	[sflag:s4] =	ssyncadd.s32 $0xFFFFFFC0  }
0x197: {  	v53 =	vld [tilespmem:$0x0]  }
0x198: {  	v1 =	vld [tilespmem:$0x10]  }
0x199: {  	v2 =	vld [tilespmem:$0x30]  }
0x19a: {  	v3 =	vld [tilespmem:$0x20];
	_ =	sdelay $0x1  }
0x19b: {  	v0 =	vadd.s32 v40, v53  }
0x19c: {  	v54 =	vadd.s32 v42, v1;
	[tilespmem:$0x80] =	vst v0  }
0x19d: {  	v55 =	vadd.s32 v47, v2;
	[tilespmem:$0x90] =	vst v54  }
0x19e: {  	v56 =	vadd.s32 v43, v3;
	[tilespmem:$0xB0] =	vst v55  }
0x19f: {  	[tilespmem:$0xA0] =	vst v56  }
0x1a0: {  	[hbm4b:s5+s7] =	stream.indirect.scatter [tilespmem:s2], [sflag:$0x1], $0x1, s8, s7, $0xb8;
	[tilespmem:$0x180] =	vst v63  }
0x1a1: {  	_ =	swait.ge [sflag:s6], $0x40  }
0x1a2: {  	[sflag:s6] =	ssyncset.done $0x0  }
0x1a3: {  	[sflag:s6] =	ssyncadd.s32 $0xFFFFFFC0  }
0x1a4: {  	[tilespmem:s3], [sflag:$0x2] =	stream.linear.gather [hbm4b:s20+s3], $0x40, $0x38;
	[tilespmem:$0x180] =	vst v63  }
0x1a5: {  	_ =	swait.ge [sflag:s4], $0x40  }
0x1a6: {  	[sflag:s4] =	ssyncset.done $0x0  }
0x1a7: {  	[sflag:s4] =	ssyncadd.s32 $0xFFFFFFC0  }
0x1a8: {  	v57 =	vld [tilespmem:$0x0]  }
0x1a9: {  	v58 =	vld [tilespmem:$0x10]  }
0x1aa: {  	v59 =	vld [tilespmem:$0x20]  }
0x1ab: {  	v60 =	vld [tilespmem:$0x30];
	_ =	sdelay $0x1  }
0x1ac: {  	v0 =	vadd.s32 v39, v57  }
0x1ad: {  	v61 =	vadd.s32 v38, v58;
	[tilespmem:$0x80] =	vst v0  }
0x1ae: {  	v62 =	vadd.s32 v45, v59;
	[tilespmem:$0x90] =	vst v61  }
0x1af: {  	v63 =	vadd.s32 v44, v60;
	[tilespmem:$0xA0] =	vst v62  }
0x1b0: {  	[tilespmem:$0xB0] =	vst v63  }
0x1b1: {  	[hbm4b:s5+s7] =	stream.indirect.scatter [tilespmem:s2], [sflag:$0x1], $0x1, s8, s7, $0xb8;
	[tilespmem:$0x180] =	vst v63  }
0x1b2: {  	_ =	swait.ge [sflag:s6], $0x40  }
0x1b3: {  	[sflag:s6] =	ssyncset.done $0x0  }
0x1b4: {  	[sflag:s6] =	ssyncadd.s32 $0xFFFFFFC0  }
0x1b5: {  	_ =	sfence.sel $0x180000  }
0x1b6: {  	[bflag:$0x0] =	sbarrier.arrive $0xFFFF  }
0x1b7: {  	p0 =	sne.s32 s0, $0x0;
	_ =	strace $0x9000004A  }
0x1b8: {  	s0 =	sadd.s32 @!p0 $0x100000, s1;
	[bflag:$0x2] =	sbarrier.arrive $0xFFFF  }
0x1b9: {  	[sflag:s0] =	ssyncadd.tile.s32 @!p0 $0x1;
	_ =	shalt  }
.Lfunc_end2:
_tile_overlayer_lowered:
.L_overlay_start_2:
0x1ba: {  	(tag) =	ssettag $0x2  }
0x1bb: {  	s0 =	rddreg [dreg:$0x0];
	s2 =	stileid.u32  }
0x1bc: {  	s1 =	rddreg [dreg:$0x1];
	p0 =	sne.s32 s2, $0x0  }
0x1bd: {  	s3 =	rddreg [dreg:$0x2];
	[bflag:$0x3] =	sbarrier.arrive $0xFFFF;
	s2 =	simm.s32 @!p0 $0x1C02  }
0x1be: {  	[timem:s3], [sflag:s2] =	dma.local @!p0 [hbm:s0], s1  }
0x1bf: {  	s0 =	simm.s32 @!p0 $0x2  }
0x1c0: {  	_ =	swait.ge @!p0 [sflag:s0], s1  }
0x1c1: {  	s1 =	ssub.s32 @!p0 $0x0, s1;
	[sflag:s0] =	ssyncset.done @!p0 $0x0  }
0x1c2: {  	[sflag:s0] =	ssyncadd.s32 @!p0 s1  }
0x1c3: {  	[bflag:$0x3] =	sbarrier.arrive $0xFFFF  }
0x1c4: {  	_ =	shalt  }

// kernel: sparse-core-data-format-call.cloned.1.call-start
scs
called_computation_lowered:
.L_overlay_start_0:
0x0: {  	s2 =	sld [smem:$0x3FD9]  }
0x1: {  	s3 =	sld [smem:$0x3FFE];
	_ =	sdelay $0x1  }
0x2: {  	s1 =	srdreg.scid  }
0x3: {  	s0 =	sand.u32 $0x1, s1  }
0x4: {  	s18 =	sshll.u32 s0, $0xA;
	s2 =	sadd.s32 s3, s2  }
0x5: {  	s2 =	sadd.s32 s2, s18  }
0x6: {  	[smem:$0x3FC5] =	sst s2  }
0x7: {  	_ = 	snop  }
0x8: {  	s2 =	sld [smem:$0x3FD0];
	(tm) =	ssettm $0x1  }
0x9: {  	s19 =	sld [smem:$0x3FFB];
	_ =	sdelay $0x3  }
0xa: {  	_ =	strace s19  }
0xb: {  	s3 =	sld [smem:$0x3FFC];
	_ =	sdelay $0x3  }
0xc: {  	_ =	strace s3  }
0xd: {  	s3 =	sld [smem:$0x3FFD];
	_ =	sdelay $0x3  }
0xe: {  	_ =	strace s3  }
0xf: {  	_ =	strace $0x8FFFFFFF  }
0x10: {  	s20 =	sld [smem:$0x3FDB];
	_ =	sdelay $0x1  }
0x11: {  	s4 =	simm.s32 $_scs_section_size  }
0x12: {  	s5 =	simm.s32 $_size__tile_overlayer_lowered;
	s6 =	simm.s32 $_tile_overlayer_lowered  }
0x13: {  	s23 =	simm.s32 $0x1BFF;
	s22 =	sshll.u32 s6, $0x1;
	s3 =	sadd.s32 s4, s20  }
0x14: {  	s7 =	simm.s32 $0x0;
	s21 =	sshll.u32 s5, $0x1;
	s5 =	sadd.s32 s22, s3  }
0x15: {  	[timem:s7], [sflag:s23] =	dma.local [hbm:s5], s21  }
0x16: {  	_ =	swait.ge [sflag:s23], s21  }
0x17: {  	s4 =	ssub.s32 $0x0, s21;
	[sflag:s23] =	ssyncset.done $0x0  }
0x18: {  	[sflag:s23] =	ssyncadd.s32 s4;
	_ =	sdelay $0x1  }
0x19: {  	s24 =	simm.s32 $0x1B8B  }
0x1a: {  	_ =	swait.ge [sflag:s24], $0x1  }
0x1b: {  	[sflag:s24] =	ssyncset.done $0x0  }
0x1c: {  	s26 =	simm.s32 $0x1B8E;
	s25 =	sld [smem:$0x3FFE];
	[sflag:s24] =	ssyncadd.s32 $0xFFFFFFFF  }
0x1d: {  	s27 =	simm.s32 $execute0_lowered;
	[smem:$0x3FD2] =	sst s26  }
0x1e: {  	s5 =	sshll.u32 s27, $0x1;
	_ =	strace $0x80000046;
	[dreg:$0x1] =	wrdreg $0xFFFFFFFF  }
0x1f: {  	s28 =	simm.s32 $_size_execute0_lowered;
	s3 =	sadd.s32 s3, s5;
	[dreg:$0x0] =	wrdreg $0x0  }
0x20: {  	s5 =	sshll.u32 s28, $0x1;
	[dreg:$0x2] =	wrdreg s3  }
0x21: {  	[dreg:$0x3] =	wrdreg s5  }
0x22: {  	[dreg:$0x4] =	wrdreg $0xC0  }
0x23: {  	_ =	task [dreg:s7], $0x5FFFF  }
0x24: {  	[dreg:$0x1] =	wrdreg $0xFFFFFFFF  }
0x25: {  	[dreg:$0x0] =	wrdreg $0x60  }
0x26: {  	[dreg:$0x2] =	wrdreg s2  }
0x27: {  	[dreg:$0x3] =	wrdreg s25  }
0x28: {  	[dreg:$0x4] =	wrdreg $0x9  }
0x29: {  	_ =	task.clear_ibuf [dreg:s7], $0x5FFFF;
	_ =	strace $0x90000046  }
0x2a: {  	s29 =	simm.s32 $0x9;
	_ =	strace $0x80000048  }
0x2b: {  	_ =	swait.ge [sflag:s29], $0x1  }
0x2c: {  	[sflag:s29] =	ssyncadd.s32 $0xFFFFFFFF  }
0x2d: {  	_ =	strace $0x90000048  }
0x2e: {  	_ =	sfence  }
0x2f: {  	s30 =	sld [smem:$0x0];
	_ =	sdelay $0x2  }
0x30: {  	s31 =	sshll.u32 s1, $0xD;
	s1 =	sshrl.u32 s1, $0x2  }
0x31: {  	s3 =	sand.u32 $0x4000, s31;
	s1 =	sadd.s32 s1, s30  }
0x32: {  	s0 =	sor.u32 s3, s0;
	s1 =	sshll.u32 s1, $0x11  }
0x33: {  	s0 =	sor.u32 s1, s0  }
0x34: {  	s0 =	sadd.s32 $0x8F2B, s0  }
0x35: {  	[sflag:s0] =	ssyncadd.remote.s32 $0x1  }
0x36: {  	_ =	sfence.sel $0xFFFF  }
0x37: {  	[dreg:$0x0] =	wrdreg $0xFFFFFFFF;
	(pc) =	sbr.abs _section_cstart, $3  }
0x38: {  	[dreg:$0x1] =	wrdreg $0xFFFFFFFF  }
0x39: {  	_ =	task.clear_ibuf [dreg:s7], $0x2FFFF;
	_ =	strace $0x9FFFFFFF  }
0x3a: {  	(tm) =	ssettm $0x7FFFFFFF  }
0x3b: {  	_ =	shalt  }
tec
execute0_lowered:
.L_overlay_start_1:
0x0: {  	(tag) =	ssettag $0x1  }
0x1: {  	s2 =	rddreg [dreg:$0x0]  }
0x2: {  	s1 =	rddreg [dreg:$0x1]  }
0x3: {  	s0 =	rddreg [dreg:$0x2];
	_ =	strace $0x80000047;
	s4 =	srdreg.scid  }
.Ltmp0:
0x4: {  	s6 =	simm.s32 $0x2;
	p0 =	por $0x0, $0x0;
	(pc) =	sbr.rel .LBB1_1-.Ltmp0, $4  }
0x5: {  	s9 =	simm.s32 $0x0;
	s3 =	sadd.s32 $0x1E00, s1;
	s5 =	sshll.u32 s4, $0x4  }
0x6: {  	s1 =	stileid.u32;
	s4 =	simm.s32 $0x1;
	s5 =	sand.u32 $0x10, s5  }
0x7: {  	s7 =	simm.s32 $0x0;
	[sflag:s4] =	ssyncpa.u1 $0x0;
	s5 =	sor.u32 s1, s5  }
0x8: {  	[sflag:s6] =	ssyncpa.u1 $0x0;
	s6 =	simm.s32 $0x0;
	s8 =	smov.u32 s5  }
.LBB1_7:
0x9: {  	s11 =	sadd.s32 $0x20, s8  }
0xa: {  	p1 =	slt.u32 s7, $0x2;
	s7 =	sadd.s32 $0x1, s7;
	p2 =	sgt.s32 s11, $0xBFF  }
0xb: {  	s11 =	smov.u32 @p2 s5;
	p2 =	sne.s32 s7, $0x62  }
.Ltmp1:
0xc: {  	_ = 	snop;
	(pc) =	sbr.rel @!p2 .LBB1_8-.Ltmp1, $4  }
0xd: {  	s10 =	simm.s32 @!p1 $0x2  }
0xe: {  	_ =	swait.ge @!p1 [sflag:s10], $0x4000  }
0xf: {  	s9 =	smov.u32 s8;
	[sflag:s10] =	ssyncset.done @!p1 $0x0  }
0x10: {  	p0 =	por !p0, !p0;
	s8 =	smov.u32 s11;
	[sflag:s10] =	ssyncadd.s32 @!p1 $0xFFFFC000  }
.LBB1_1:
0x11: {  	p1 =	sgt.u32 s7, $0x5F  }
0x12: {  	s10 =	sxor.u32 @!p1 $0xFFFFFFFF, s7  }
0x13: {  	s11 =	sshll.u32 @!p1 s8, $0xB;
	s10 =	sshll.u32 @!p1 s10, $0xE  }
0x14: {  	s12 =	simm.s32 @!p1 $0x0;
	s11 =	sadd.s32 @!p1 s2, s11;
	s10 =	sand.u32 @!p1 $0x4000, s10  }
0x15: {  	[tilespmem:s10], [sflag:$0x1] =	stream.linear.gather @!p1 [hbm4b:s11+s12], $0x4000, $0x38;
	[tilespmem:$0x10000] =	vst v63  }
0x16: {  	p1 =	seq.s32 s7, $0x0  }
0x17: {  	p2 =	seq.s32 @!p1 s7, $0x61  }
0x18: {  	p1 =	por p1, p2  }
.Ltmp2:
0x19: {  	_ = 	snop;
	(pc) =	sbr.rel @p1 .LBB1_7-.Ltmp2, $1  }
0x1a: {  	_ =	sdelay $0x3  }
0x1b: {  	s10 =	simm.s32 $0x1;
	_ =	swait.ge [sflag:s4], $0x4000;
	s12 =	sshll.u32 s7, $0xE  }
0x1c: {  	s13 =	simm.s32 $0x0;
	s10 =	simm.s32 @!p0 $0x0;
	[sflag:s4] =	ssyncset.done $0x0  }
0x1d: {  	s12 =	sand.u32 $0x4000, s12;
	s11 =	sshll.u32 s10, $0xE;
	[sflag:s4] =	ssyncadd.s32 $0xFFFFC000  }
0x1e: {  	s12 =	sor.u32 $0x8000, s12;
	s10 =	sor.u32 $0x8040, s11;
	s11 =	sor.u32 $0x40, s11  }
.LBB1_3:
0x1f: {  	v0 =	vmov s11;
	_ =	sdelay $0x3  }
0x20: {  	s15 =	simm.s32 $0x0  }
0x21: {  	v6 =	vld.idx.msk [tilespmem:v0+s15+$0x30 ss:$0x1], $0xffff  }
0x22: {  	v7 =	vld.idx.msk [tilespmem:v0+s15+$0xFFFFFFC0 ss:$0x1], $0xffff  }
0x23: {  	v5 =	vld.idx.msk [tilespmem:v0+s15+$0xFFFFFFD0 ss:$0x1], $0xffff  }
0x24: {  	v4 =	vld.idx.msk [tilespmem:v0+s15+$0xFFFFFFE0 ss:$0x1], $0xffff  }
0x25: {  	v3 =	vld.idx.msk [tilespmem:v0+s15+$0xFFFFFFF0 ss:$0x1], $0xffff  }
0x26: {  	v1 =	vld.idx.msk [tilespmem:v0+s15+$0x0 ss:$0x1], $0xffff  }
0x27: {  	v2 =	vld.idx.msk [tilespmem:v0+s15+$0x10 ss:$0x1], $0xffff;
	[tilespmem:s10+$0x30] =	vst v6  }
0x28: {  	s14 =	simm.s32 $0x80;
	s16 =	simm.s32 $0x400;
	[tilespmem:s10+$0xFFFFFFC0] =	vst v7;
	v6 =	vld.idx.msk [tilespmem:v0+s15+$0x20 ss:$0x1], $0xffff;
	s15 =	smov.u32 s10  }
.LBB1_4:
0x29: {  	p1 =	sne.s32 s16, $0xE00;
	v7 =	vld.idx.msk [tilespmem:v0+s14+$0x30 ss:$0x1], $0xffff;
	[tilespmem:s15+$0xFFFFFFD0] =	vst v5  }
0x2a: {  	v8 =	vld.idx.msk [tilespmem:v0+s14+$0xFFFFFFC0 ss:$0x1], $0xffff;
	[tilespmem:s15+$0xFFFFFFE0] =	vst v4  }
0x2b: {  	v5 =	vld.idx.msk [tilespmem:v0+s14+$0xFFFFFFD0 ss:$0x1], $0xffff;
	[tilespmem:s15+$0xFFFFFFF0] =	vst v3  }
.Ltmp3:
0x2c: {  	v4 =	vld.idx.msk [tilespmem:v0+s14+$0xFFFFFFE0 ss:$0x1], $0xffff;
	[tilespmem:s15+$0x0] =	vst v1;
	(pc) =	sbr.rel @p1 .LBB1_4-.Ltmp3, $4  }
0x2d: {  	v3 =	vld.idx.msk [tilespmem:v0+s14+$0xFFFFFFF0 ss:$0x1], $0xffff;
	[tilespmem:s15+$0x10] =	vst v2  }
0x2e: {  	v1 =	vld.idx.msk [tilespmem:v0+s14+$0x0 ss:$0x1], $0xffff;
	[tilespmem:s15+$0x20] =	vst v6;
	s15 =	sadd.s32 $0x800, s15  }
0x2f: {  	v2 =	vld.idx.msk [tilespmem:v0+s14+$0x10 ss:$0x1], $0xffff;
	[tilespmem:s15+$0x30] =	vst v7  }
0x30: {  	[tilespmem:s15+$0xFFFFFFC0] =	vst v8;
	v6 =	vld.idx.msk [tilespmem:v0+s14+$0x20 ss:$0x1], $0xffff;
	s14 =	sshra.s32 s16, $0x2;
	s16 =	sadd.s32 $0x200, s16  }
0x31: {  	_ =	sdelay $0x2  }
0x32: {  	[tilespmem:s15+$0xFFFFFFD0] =	vst v5  }
0x33: {  	v56 =	vld.idx.msk [tilespmem:v0+s14+$0x30 ss:$0x1], $0xffff;
	[tilespmem:s15+$0xFFFFFFE0] =	vst v4  }
0x34: {  	v57 =	vld.idx.msk [tilespmem:v0+s14+$0xFFFFFFC0 ss:$0x1], $0xffff;
	[tilespmem:s15+$0xFFFFFFF0] =	vst v3  }
0x35: {  	v58 =	vld.idx.msk [tilespmem:v0+s14+$0xFFFFFFD0 ss:$0x1], $0xffff;
	[tilespmem:s15+$0x0] =	vst v1  }
0x36: {  	v59 =	vld.idx.msk [tilespmem:v0+s14+$0xFFFFFFE0 ss:$0x1], $0xffff;
	[tilespmem:s15+$0x10] =	vst v2  }
0x37: {  	v60 =	vld.idx.msk [tilespmem:v0+s14+$0xFFFFFFF0 ss:$0x1], $0xffff;
	s31 =	sadd.s32 $0x800, s15;
	[tilespmem:s15+$0x20] =	vst v6  }
0x38: {  	v61 =	vld.idx.msk [tilespmem:v0+s14+$0x0 ss:$0x1], $0xffff;
	[tilespmem:s31+$0x30] =	vst v56  }
0x39: {  	v62 =	vld.idx.msk [tilespmem:v0+s14+$0x10 ss:$0x1], $0xffff;
	s13 =	sadd.s32 $0x1, s13;
	[tilespmem:s31+$0xFFFFFFC0] =	vst v57  }
0x3a: {  	v63 =	vld.idx.msk [tilespmem:v0+s14+$0x20 ss:$0x1], $0xffff;
	p1 =	sne.s32 s13, $0x10;
	[tilespmem:s31+$0xFFFFFFD0] =	vst v58  }
.Ltmp4:
0x3b: {  	[tilespmem:s31+$0xFFFFFFE0] =	vst v59;
	(pc) =	sbr.rel @p1 .LBB1_3-.Ltmp4, $4  }
0x3c: {  	[tilespmem:s31+$0xFFFFFFF0] =	vst v60  }
0x3d: {  	[tilespmem:s31+$0x0] =	vst v61  }
0x3e: {  	[tilespmem:s31+$0x10] =	vst v62  }
0x3f: {  	s10 =	sadd.s32 $0x80, s10;
	s11 =	sadd.s32 $0x400, s11;
	[tilespmem:s31+$0x20] =	vst v63  }
.Ltmp5:
0x40: {  	(pc) =	sbr.rel .LBB1_7-.Ltmp5, $4  }
0x41: {  	_ = 	snop  }
0x42: {  	s9 =	sshll.u32 s9, $0xB  }
0x43: {  	s9 =	sadd.s32 s3, s9  }
0x44: {  	[hbm4b:s9+s6] =	stream.linear.scatter [tilespmem:s12], [sflag:$0x2], $0x4000, $0x38;
	[tilespmem:$0x10000] =	vst v63  }
.LBB1_8:
0x45: {  	_ =	sfence.sel $0x180000  }
0x46: {  	s2 =	simm.s32 $0x1;
	[bflag:$0x0] =	sbarrier.arrive $0xFFFF  }
0x47: {  	s31 =	simm.s32 $0x2;
	[sflag:s2] =	ssyncpa.u1 $0x1  }
0x48: {  	[sflag:s31] =	ssyncpa.u1 $0x1  }
0x49: {  	p0 =	sne.s32 s1, $0x0;
	_ =	strace $0x90000047  }
0x4a: {  	s0 =	sadd.s32 @!p0 $0x100000, s0;
	[bflag:$0x2] =	sbarrier.arrive $0xFFFF  }
0x4b: {  	[sflag:s0] =	ssyncadd.tile.s32 @!p0 $0x1;
	_ =	shalt  }
.Lfunc_end1:
_tile_overlayer_lowered:
.L_overlay_start_2:
0x4c: {  	(tag) =	ssettag $0x2  }
0x4d: {  	s0 =	rddreg [dreg:$0x0];
	s2 =	stileid.u32  }
0x4e: {  	s1 =	rddreg [dreg:$0x1];
	p0 =	sne.s32 s2, $0x0  }
0x4f: {  	s3 =	rddreg [dreg:$0x2];
	[bflag:$0x3] =	sbarrier.arrive $0xFFFF;
	s2 =	simm.s32 @!p0 $0x1C01  }
0x50: {  	[timem:s3], [sflag:s2] =	dma.local @!p0 [hbm:s0], s1  }
0x51: {  	s0 =	simm.s32 @!p0 $0x1  }
0x52: {  	_ =	swait.ge @!p0 [sflag:s0], s1  }
0x53: {  	s1 =	ssub.s32 @!p0 $0x0, s1;
	[sflag:s0] =	ssyncset.done @!p0 $0x0  }
0x54: {  	[sflag:s0] =	ssyncadd.s32 @!p0 s1  }
0x55: {  	[bflag:$0x3] =	sbarrier.arrive $0xFFFF  }
0x56: {  	_ =	shalt  }

</sc_bundles>
